<compile_context>
chip_gen: v7x
topology: tpu7x:2x2x1
jax: 0.10.2.dev20260603
libtpu: 0.0.44.dev20260713+nightly
codegen_flags: <defaults>
</compile_context>

<pallas_src>
import jax
import jax.numpy as jnp
from jax import lax
from jax.experimental import pallas as pl
from jax.experimental.pallas import tpu as pltpu
from jax.experimental.pallas import tpu_sc as plsc

B, N, Q = 2048, 8192, 2048
L = 16
NC, NS = 2, 16
NW = NC * NS
ROWS_PER_W = B // NW
NBUF = 4


def _tec_body(x_hbm, y_hbm, out_hbm, xv, idxv, wv, rowbuf, outbuf, *sems):
    sems_in = sems[:NBUF]
    sems_out = sems[NBUF:]
    wid = lax.axis_index("s") * NC + lax.axis_index("c")
    base_row = wid * ROWS_PER_W

    def in_copy(b, row):
        return pltpu.make_async_copy(
            y_hbm.at[row], rowbuf.at[pl.ds(b * N, N)], sems_in[b])

    def out_copy(b, row):
        return pltpu.make_async_copy(
            outbuf.at[pl.ds(b * Q, Q)], out_hbm.at[row], sems_out[b])

    for b in range(NBUF):
        in_copy(b, base_row + b).start()

    pltpu.sync_copy(x_hbm, xv)
    scale = jnp.float32(N - 1)

    @plsc.parallel_loop(0, Q // L, unroll=4)
    def _idx_loop(i):
        x = xv[pl.ds(i * L, L)]
        t = x * scale
        idx = t.astype(jnp.int32)
        idx = jnp.minimum(jnp.maximum(idx, 0), N - 2)
        w = t - idx.astype(jnp.float32)
        idxv[pl.ds(i * L, L)] = idx
        wv[pl.ds(i * L, L)] = w

    def group_body(g, carry):
        for b in range(NBUF):
            r = g * NBUF + b
            row = base_row + r
            in_copy(b, row).wait()

            @pl.when(g > 0)
            def _():
                out_copy(b, row - NBUF).wait()

            boff = b * N

            @plsc.parallel_loop(0, Q // L, unroll=8)
            def _q_loop(c):
                iv = idxv[pl.ds(c * L, L)] + boff
                w = wv[pl.ds(c * L, L)]
                y1 = plsc.load_gather(rowbuf, [iv])
                y2 = plsc.load_gather(rowbuf, [iv + 1])
                outbuf[pl.ds(b * Q + c * L, L)] = y1 + w * (y2 - y1)

            out_copy(b, row).start()

            @pl.when(r + NBUF < ROWS_PER_W)
            def _():
                in_copy(b, row + NBUF).start()
        return carry

    lax.fori_loop(0, ROWS_PER_W // NBUF, group_body, 0)

    for b in range(NBUF):
        out_copy(b, base_row + ROWS_PER_W - NBUF + b).wait()


def kernel(x_new_, y_points):
    mesh = plsc.VectorSubcoreMesh(core_axis_name="c", subcore_axis_name="s")
    k = pl.kernel(
        _tec_body,
        out_type=jax.ShapeDtypeStruct((B, Q), jnp.float32),
        mesh=mesh,
        compiler_params=pltpu.CompilerParams(needs_layout_passes=False),
        scratch_types=[
            pltpu.VMEM((Q,), jnp.float32),
            pltpu.VMEM((Q,), jnp.int32),
            pltpu.VMEM((Q,), jnp.float32),
            pltpu.VMEM((NBUF * N,), jnp.float32),
            pltpu.VMEM((NBUF * Q,), jnp.float32),
        ] + [pltpu.SemaphoreType.DMA] * (2 * NBUF),
    )
    return k(x_new_, y_points)

# --- scband reference (transcript-rebuilt; emitter-appended) ---
"""Pipeline reference for scband-linear-interpolation-module-4191888081196 (READ-ONLY COPY).

The authoritative reference and input builder live on the scoring server;
editing this copy changes nothing except your own understanding.
"""

import jax, jax.numpy as jnp
import numpy as np

B, N, Q = 2048, 8192, 2048

def setup_inputs(seed: int = 0) -> dict:
    key = jax.random.key(seed)
    k1, k2 = jax.random.split(key)
    x_new_ = jax.random.uniform(k1, (Q,), dtype=jnp.float32)
    y_points = jax.random.normal(k2, (B, N), dtype=jnp.float32)
    return {"x_new_": x_new_, "y_points": y_points}

def reference(x_new_, y_points):
    batch_size, num_points = y_points.shape
    x_points = jnp.linspace(0.0, 1.0, num_points).astype(jnp.float32)
    # torch.searchsorted(..., right=True) == jnp.searchsorted(..., side='right')
    # x_points rows are identical (linspace), so 1D searchsorted is faithful
    idxs = jnp.searchsorted(x_points, x_new_, side='right') - 1
    idxs = jnp.clip(idxs, 0, num_points - 2)
    x1 = x_points[idxs]            # [Q]
    x2 = x_points[idxs + 1]        # [Q]
    idxs_b = jnp.broadcast_to(idxs[None, :], (batch_size, idxs.shape[0]))
    y1 = jnp.take_along_axis(y_points, idxs_b, axis=1)      # [B, Q]
    y2 = jnp.take_along_axis(y_points, idxs_b + 1, axis=1)  # [B, Q]
    weights = (x_new_ - x1) / (x2 - x1)                      # [Q]
    y_interpolated = y1 + weights[None, :] * (y2 - y1)       # [B, Q]
    return y_interpolated

if __name__ == "__main__":
    import jax
    _d = setup_inputs()
    print(jax.jit(kernel)(*tuple(_d.values())))

</pallas_src>

<mosaic_0001>
#map = affine_map<(d0, d1) -> (0)>
#map1 = affine_map<(d0, d1) -> (0, 0)>
module attributes {stable_mosaic.version = 14 : i64} {
  func.func @_tec_body(%arg0: i32, %arg1: i32, %arg2: memref<2048xf32, #tpu.memory_space<hbm>>, %arg3: memref<2048x8192xf32, #tpu.memory_space<hbm>>, %arg4: memref<2048x2048xf32, #tpu.memory_space<hbm>>, %arg5: memref<2048xf32, #tpu.memory_space<vmem>>, %arg6: memref<2048xi32, #tpu.memory_space<vmem>>, %arg7: memref<2048xf32, #tpu.memory_space<vmem>>, %arg8: memref<32768xf32, #tpu.memory_space<vmem>>, %arg9: memref<8192xf32, #tpu.memory_space<vmem>>, %arg10: memref<!tpu.dma_semaphore, #tpu.memory_space<semaphore_mem>>, %arg11: memref<!tpu.dma_semaphore, #tpu.memory_space<semaphore_mem>>, %arg12: memref<!tpu.dma_semaphore, #tpu.memory_space<semaphore_mem>>, %arg13: memref<!tpu.dma_semaphore, #tpu.memory_space<semaphore_mem>>, %arg14: memref<!tpu.dma_semaphore, #tpu.memory_space<semaphore_mem>>, %arg15: memref<!tpu.dma_semaphore, #tpu.memory_space<semaphore_mem>>, %arg16: memref<!tpu.dma_semaphore, #tpu.memory_space<semaphore_mem>>, %arg17: memref<!tpu.dma_semaphore, #tpu.memory_space<semaphore_mem>>) attributes {dimension_semantics = [#tpu.dimension_semantics<core_parallel>, #tpu.dimension_semantics<subcore_parallel>], iteration_bounds = array<i64: 2, 16>, scalar_prefetch = 0 : i64, scratch_operands = 13 : i64, tpu.core_type = #tpu.core_type<sc_vector_subcore>, window_params = [{transform_indices = #map}, {transform_indices = #map1}, {transform_indices = #map1}]} {
    %mul3A = arith.constant 2 : i32
    %mul3A_0 = arith.muli %arg1, %mul3A : i32
    %add3A = arith.addi %mul3A_0, %arg0 : i32
    %mul3A_1 = arith.constant 64 : i32
    %mul3A_2 = arith.muli %add3A, %mul3A_1 : i32
    %add3A_3 = arith.constant 0 : i32
    %add3A_4 = arith.addi %mul3A_2, %add3A_3 : i32
    %dma_start3A = arith.constant 0 : i32
    %dma_start3A_5 = tpu.memref_slice %arg8[%dma_start3A] : memref<32768xf32, #tpu.memory_space<vmem>> -> memref<8192xf32, #tpu.memory_space<vmem>>
    %dma_start3A_6 = arith.constant 0 : i32
    %dma_start3A_7 = tpu.memref_slice %arg3[%add3A_4, %dma_start3A_6] : memref<2048x8192xf32, #tpu.memory_space<hbm>> -> memref<1x8192xf32, #tpu.memory_space<hbm>>
    %dma_start3A_8 = tpu.memref_squeeze %dma_start3A_7 : memref<1x8192xf32, #tpu.memory_space<hbm>> -> memref<8192xf32, #tpu.memory_space<hbm>>
    %dma_start3A_9 = arith.constant 0 : i32
    %dma_start3A_10 = tpu.memref_slice %arg8[%dma_start3A_9] : memref<32768xf32, #tpu.memory_space<vmem>> -> memref<8192xf32, #tpu.memory_space<vmem>>
    %dma_start3A_11 = arith.constant 0 : i32
    %dma_start3A_12 = tpu.memref_slice %arg3[%add3A_4, %dma_start3A_11] : memref<2048x8192xf32, #tpu.memory_space<hbm>> -> memref<1x8192xf32, #tpu.memory_space<hbm>>
    %dma_start3A_13 = tpu.memref_squeeze %dma_start3A_12 : memref<1x8192xf32, #tpu.memory_space<hbm>> -> memref<8192xf32, #tpu.memory_space<hbm>>
    tpu.enqueue_dma source(%dma_start3A_13 : memref<8192xf32, #tpu.memory_space<hbm>>) target(%dma_start3A_10 : memref<8192xf32, #tpu.memory_space<vmem>>) target_semaphore(%arg10 : memref<!tpu.dma_semaphore, #tpu.memory_space<semaphore_mem>>)
    %add3A_14 = arith.constant 1 : i32
    %add3A_15 = arith.addi %mul3A_2, %add3A_14 : i32
    %dma_start3A_16 = arith.constant 8192 : i32
    %dma_start3A_17 = tpu.memref_slice %arg8[%dma_start3A_16] : memref<32768xf32, #tpu.memory_space<vmem>> -> memref<8192xf32, #tpu.memory_space<vmem>>
    %dma_start3A_18 = arith.constant 0 : i32
    %dma_start3A_19 = tpu.memref_slice %arg3[%add3A_15, %dma_start3A_18] : memref<2048x8192xf32, #tpu.memory_space<hbm>> -> memref<1x8192xf32, #tpu.memory_space<hbm>>
    %dma_start3A_20 = tpu.memref_squeeze %dma_start3A_19 : memref<1x8192xf32, #tpu.memory_space<hbm>> -> memref<8192xf32, #tpu.memory_space<hbm>>
    %dma_start3A_21 = arith.constant 8192 : i32
    %dma_start3A_22 = tpu.memref_slice %arg8[%dma_start3A_21] : memref<32768xf32, #tpu.memory_space<vmem>> -> memref<8192xf32, #tpu.memory_space<vmem>>
    %dma_start3A_23 = arith.constant 0 : i32
    %dma_start3A_24 = tpu.memref_slice %arg3[%add3A_15, %dma_start3A_23] : memref<2048x8192xf32, #tpu.memory_space<hbm>> -> memref<1x8192xf32, #tpu.memory_space<hbm>>
    %dma_start3A_25 = tpu.memref_squeeze %dma_start3A_24 : memref<1x8192xf32, #tpu.memory_space<hbm>> -> memref<8192xf32, #tpu.memory_space<hbm>>
    tpu.enqueue_dma source(%dma_start3A_25 : memref<8192xf32, #tpu.memory_space<hbm>>) target(%dma_start3A_22 : memref<8192xf32, #tpu.memory_space<vmem>>) target_semaphore(%arg11 : memref<!tpu.dma_semaphore, #tpu.memory_space<semaphore_mem>>)
    %add3A_26 = arith.constant 2 : i32
    %add3A_27 = arith.addi %mul3A_2, %add3A_26 : i32
    %dma_start3A_28 = arith.constant 16384 : i32
    %dma_start3A_29 = tpu.memref_slice %arg8[%dma_start3A_28] : memref<32768xf32, #tpu.memory_space<vmem>> -> memref<8192xf32, #tpu.memory_space<vmem>>
    %dma_start3A_30 = arith.constant 0 : i32
    %dma_start3A_31 = tpu.memref_slice %arg3[%add3A_27, %dma_start3A_30] : memref<2048x8192xf32, #tpu.memory_space<hbm>> -> memref<1x8192xf32, #tpu.memory_space<hbm>>
    %dma_start3A_32 = tpu.memref_squeeze %dma_start3A_31 : memref<1x8192xf32, #tpu.memory_space<hbm>> -> memref<8192xf32, #tpu.memory_space<hbm>>
    %dma_start3A_33 = arith.constant 16384 : i32
    %dma_start3A_34 = tpu.memref_slice %arg8[%dma_start3A_33] : memref<32768xf32, #tpu.memory_space<vmem>> -> memref<8192xf32, #tpu.memory_space<vmem>>
    %dma_start3A_35 = arith.constant 0 : i32
    %dma_start3A_36 = tpu.memref_slice %arg3[%add3A_27, %dma_start3A_35] : memref<2048x8192xf32, #tpu.memory_space<hbm>> -> memref<1x8192xf32, #tpu.memory_space<hbm>>
    %dma_start3A_37 = tpu.memref_squeeze %dma_start3A_36 : memref<1x8192xf32, #tpu.memory_space<hbm>> -> memref<8192xf32, #tpu.memory_space<hbm>>
    tpu.enqueue_dma source(%dma_start3A_37 : memref<8192xf32, #tpu.memory_space<hbm>>) target(%dma_start3A_34 : memref<8192xf32, #tpu.memory_space<vmem>>) target_semaphore(%arg12 : memref<!tpu.dma_semaphore, #tpu.memory_space<semaphore_mem>>)
    %add3A_38 = arith.constant 3 : i32
    %add3A_39 = arith.addi %mul3A_2, %add3A_38 : i32
    %dma_start3A_40 = arith.constant 24576 : i32
    %dma_start3A_41 = tpu.memref_slice %arg8[%dma_start3A_40] : memref<32768xf32, #tpu.memory_space<vmem>> -> memref<8192xf32, #tpu.memory_space<vmem>>
    %dma_start3A_42 = arith.constant 0 : i32
    %dma_start3A_43 = tpu.memref_slice %arg3[%add3A_39, %dma_start3A_42] : memref<2048x8192xf32, #tpu.memory_space<hbm>> -> memref<1x8192xf32, #tpu.memory_space<hbm>>
    %dma_start3A_44 = tpu.memref_squeeze %dma_start3A_43 : memref<1x8192xf32, #tpu.memory_space<hbm>> -> memref<8192xf32, #tpu.memory_space<hbm>>
    %dma_start3A_45 = arith.constant 24576 : i32
    %dma_start3A_46 = tpu.memref_slice %arg8[%dma_start3A_45] : memref<32768xf32, #tpu.memory_space<vmem>> -> memref<8192xf32, #tpu.memory_space<vmem>>
    %dma_start3A_47 = arith.constant 0 : i32
    %dma_start3A_48 = tpu.memref_slice %arg3[%add3A_39, %dma_start3A_47] : memref<2048x8192xf32, #tpu.memory_space<hbm>> -> memref<1x8192xf32, #tpu.memory_space<hbm>>
    %dma_start3A_49 = tpu.memref_squeeze %dma_start3A_48 : memref<1x8192xf32, #tpu.memory_space<hbm>> -> memref<8192xf32, #tpu.memory_space<hbm>>
    tpu.enqueue_dma source(%dma_start3A_49 : memref<8192xf32, #tpu.memory_space<hbm>>) target(%dma_start3A_46 : memref<8192xf32, #tpu.memory_space<vmem>>) target_semaphore(%arg13 : memref<!tpu.dma_semaphore, #tpu.memory_space<semaphore_mem>>)
    "tpu.region"() ({
      %run_scoped3A = tpu.sem_alloc : memref<!tpu.dma_semaphore, #tpu.memory_space<semaphore_mem>>
      tpu.enqueue_dma source(%arg2 : memref<2048xf32, #tpu.memory_space<hbm>>) target(%arg5 : memref<2048xf32, #tpu.memory_space<vmem>>) target_semaphore(%run_scoped3A : memref<!tpu.dma_semaphore, #tpu.memory_space<semaphore_mem>>)
      tpu.wait_dma2 semaphore(%run_scoped3A : memref<!tpu.dma_semaphore, #tpu.memory_space<semaphore_mem>>) src(%arg2 : memref<2048xf32, #tpu.memory_space<hbm>>) dst(%arg5 : memref<2048xf32, #tpu.memory_space<vmem>>)
      tpu.yield
    }) : () -> ()
    %parallel_loop3A = arith.constant 0 : i32
    %parallel_loop3A_50 = arith.constant 128 : i32
    %parallel_loop3A_51 = arith.constant 1 : i32
    %parallel_loop3A_52 = arith.constant 8.191000e+03 : f32
    scf.for %parallel_loop3A_120 = %parallel_loop3A to %parallel_loop3A_50 step %parallel_loop3A_51  : i32 {
      %parallel_loop3A_121 = arith.constant 16 : i32
      %parallel_loop3A_122 = arith.muli %parallel_loop3A_120, %parallel_loop3A_121 : i32
      %parallel_loop3A_123 = arith.index_cast %parallel_loop3A_122 : i32 to index
      %parallel_loop3A_124 = tpu.vector_load %arg5[%parallel_loop3A_123] {strides = array<i32>} : memref<2048xf32, #tpu.memory_space<vmem>>, vector<16xf32>,
      %parallel_loop3A_125 = vector.broadcast %parallel_loop3A_52 : f32 to vector<16xf32>
      %parallel_loop3A_126 = arith.mulf %parallel_loop3A_124, %parallel_loop3A_125 : vector<16xf32>
      %parallel_loop3A_127 = arith.fptosi %parallel_loop3A_126 : vector<16xf32> to vector<16xi32>
      %parallel_loop3A_128 = arith.constant 0 : i32
      %parallel_loop3A_129 = vector.broadcast %parallel_loop3A_128 : i32 to vector<16xi32>
      %parallel_loop3A_130 = arith.maxsi %parallel_loop3A_127, %parallel_loop3A_129 : vector<16xi32>
      %parallel_loop3A_131 = arith.constant 8190 : i32
      %parallel_loop3A_132 = vector.broadcast %parallel_loop3A_131 : i32 to vector<16xi32>
      %parallel_loop3A_133 = arith.minsi %parallel_loop3A_130, %parallel_loop3A_132 : vector<16xi32>
      %parallel_loop3A_134 = arith.sitofp %parallel_loop3A_133 : vector<16xi32> to vector<16xf32>
      %parallel_loop3A_135 = arith.subf %parallel_loop3A_126, %parallel_loop3A_134 : vector<16xf32>
      %parallel_loop3A_136 = arith.constant 16 : i32
      %parallel_loop3A_137 = arith.muli %parallel_loop3A_120, %parallel_loop3A_136 : i32
      %parallel_loop3A_138 = arith.index_cast %parallel_loop3A_137 : i32 to index
      %parallel_loop3A_139 = tpu.vector_load %arg6[%parallel_loop3A_138] {strides = array<i32>} : memref<2048xi32, #tpu.memory_space<vmem>>, vector<16xi32>,
      tpu.vector_store %arg6[%parallel_loop3A_138], %parallel_loop3A_133 {strides = array<i32>} : memref<2048xi32, #tpu.memory_space<vmem>>, vector<16xi32>,
      %parallel_loop3A_140 = arith.constant 16 : i32
      %parallel_loop3A_141 = arith.muli %parallel_loop3A_120, %parallel_loop3A_140 : i32
      %parallel_loop3A_142 = arith.index_cast %parallel_loop3A_141 : i32 to index
      %parallel_loop3A_143 = tpu.vector_load %arg7[%parallel_loop3A_142] {strides = array<i32>} : memref<2048xf32, #tpu.memory_space<vmem>>, vector<16xf32>,
      tpu.vector_store %arg7[%parallel_loop3A_142], %parallel_loop3A_135 {strides = array<i32>} : memref<2048xf32, #tpu.memory_space<vmem>>, vector<16xf32>,
    } {sc.loop_unroll_factor = 4 : i64, sc.parallel_access}
    %scan3A = arith.constant 0 : i32
    %scan3A_53 = arith.constant 0 : i32
    %scan3A_54 = arith.constant 16 : i32
    %scan3A_55 = arith.addi %scan3A_53, %scan3A_54 : i32
    %scan3A_56 = arith.constant 1 : i32
    scf.for %scan3A_120 = %scan3A_53 to %scan3A_55 step %scan3A_56  : i32 {
      %mul3A_121 = arith.constant 4 : i32
      %mul3A_122 = arith.muli %scan3A_120, %mul3A_121 : i32
      %add3A_123 = arith.constant 0 : i32
      %add3A_124 = arith.addi %mul3A_122, %add3A_123 : i32
      %add3A_125 = arith.addi %mul3A_2, %add3A_124 : i32
      %dma_wait3A_126 = arith.constant 0 : i32
      %dma_wait3A_127 = tpu.memref_slice %arg8[%dma_wait3A_126] : memref<32768xf32, #tpu.memory_space<vmem>> -> memref<8192xf32, #tpu.memory_space<vmem>>
      %dma_wait3A_128 = arith.constant 0 : i32
      %dma_wait3A_129 = tpu.memref_slice %arg3[%add3A_125, %dma_wait3A_128] : memref<2048x8192xf32, #tpu.memory_space<hbm>> -> memref<1x8192xf32, #tpu.memory_space<hbm>>
      %dma_wait3A_130 = tpu.memref_squeeze %dma_wait3A_129 : memref<1x8192xf32, #tpu.memory_space<hbm>> -> memref<8192xf32, #tpu.memory_space<hbm>>
      %dma_wait3A_131 = arith.constant 0 : i32
      %dma_wait3A_132 = tpu.memref_slice %arg8[%dma_wait3A_131] : memref<32768xf32, #tpu.memory_space<vmem>> -> memref<8192xf32, #tpu.memory_space<vmem>>
      %dma_wait3A_133 = arith.constant 0 : i32
      %dma_wait3A_134 = tpu.memref_slice %arg3[%add3A_125, %dma_wait3A_133] : memref<2048x8192xf32, #tpu.memory_space<hbm>> -> memref<1x8192xf32, #tpu.memory_space<hbm>>
      %dma_wait3A_135 = tpu.memref_squeeze %dma_wait3A_134 : memref<1x8192xf32, #tpu.memory_space<hbm>> -> memref<8192xf32, #tpu.memory_space<hbm>>
      tpu.wait_dma2 semaphore(%arg10 : memref<!tpu.dma_semaphore, #tpu.memory_space<semaphore_mem>>) src(%dma_wait3A_135 : memref<8192xf32, #tpu.memory_space<hbm>>) dst(%dma_wait3A_132 : memref<8192xf32, #tpu.memory_space<vmem>>)
      %gt3A = arith.constant 0 : i32
      %gt3A_136 = arith.cmpi sgt, %scan3A_120, %gt3A : i32
      %convert_element_type3A = arith.extui %gt3A_136 : i1 to i32
      %cond3A = arith.constant 0 : i32
      %cond3A_137 = arith.cmpi ne, %convert_element_type3A, %cond3A : i32
      scf.if %cond3A_137 {
        %sub3A_277 = arith.constant 4 : i32
        %sub3A_278 = arith.subi %add3A_125, %sub3A_277 : i32
        %dma_wait3A_279 = arith.constant 0 : i32
        %dma_wait3A_280 = tpu.memref_slice %arg9[%dma_wait3A_279] : memref<8192xf32, #tpu.memory_space<vmem>> -> memref<2048xf32, #tpu.memory_space<vmem>>
        %dma_wait3A_281 = arith.constant 0 : i32
        %dma_wait3A_282 = tpu.memref_slice %arg4[%sub3A_278, %dma_wait3A_281] : memref<2048x2048xf32, #tpu.memory_space<hbm>> -> memref<1x2048xf32, #tpu.memory_space<hbm>>
        %dma_wait3A_283 = tpu.memref_squeeze %dma_wait3A_282 : memref<1x2048xf32, #tpu.memory_space<hbm>> -> memref<2048xf32, #tpu.memory_space<hbm>>
        %dma_wait3A_284 = arith.constant 0 : i32
        %dma_wait3A_285 = tpu.memref_slice %arg4[%sub3A_278, %dma_wait3A_284] : memref<2048x2048xf32, #tpu.memory_space<hbm>> -> memref<1x2048xf32, #tpu.memory_space<hbm>>
        %dma_wait3A_286 = tpu.memref_squeeze %dma_wait3A_285 : memref<1x2048xf32, #tpu.memory_space<hbm>> -> memref<2048xf32, #tpu.memory_space<hbm>>
        %dma_wait3A_287 = arith.constant 0 : i32
        %dma_wait3A_288 = tpu.memref_slice %arg9[%dma_wait3A_287] : memref<8192xf32, #tpu.memory_space<vmem>> -> memref<2048xf32, #tpu.memory_space<vmem>>
        tpu.wait_dma2 semaphore(%arg14 : memref<!tpu.dma_semaphore, #tpu.memory_space<semaphore_mem>>) src(%dma_wait3A_288 : memref<2048xf32, #tpu.memory_space<vmem>>) dst(%dma_wait3A_286 : memref<2048xf32, #tpu.memory_space<hbm>>)
      } else {
      }
      %parallel_loop3A_138 = arith.constant 0 : i32
      %parallel_loop3A_139 = arith.constant 128 : i32
      %parallel_loop3A_140 = arith.constant 1 : i32
      scf.for %parallel_loop3A_277 = %parallel_loop3A_138 to %parallel_loop3A_139 step %parallel_loop3A_140  : i32 {
        %parallel_loop3A_278 = arith.constant 16 : i32
        %parallel_loop3A_279 = arith.muli %parallel_loop3A_277, %parallel_loop3A_278 : i32
        %parallel_loop3A_280 = arith.index_cast %parallel_loop3A_279 : i32 to index
        %parallel_loop3A_281 = tpu.vector_load %arg6[%parallel_loop3A_280] {strides = array<i32>} : memref<2048xi32, #tpu.memory_space<vmem>>, vector<16xi32>,
        %parallel_loop3A_282 = arith.constant 0 : i32
        %parallel_loop3A_283 = vector.broadcast %parallel_loop3A_282 : i32 to vector<16xi32>
        %parallel_loop3A_284 = arith.addi %parallel_loop3A_281, %parallel_loop3A_283 : vector<16xi32>
        %parallel_loop3A_285 = arith.constant 16 : i32
        %parallel_loop3A_286 = arith.muli %parallel_loop3A_277, %parallel_loop3A_285 : i32
        %parallel_loop3A_287 = arith.index_cast %parallel_loop3A_286 : i32 to index
        %parallel_loop3A_288 = tpu.vector_load %arg7[%parallel_loop3A_287] {strides = array<i32>} : memref<2048xf32, #tpu.memory_space<vmem>>, vector<16xf32>,
        %parallel_loop3A_289 = tpu.vector_load_idx %arg8[%parallel_loop3A_284] : memref<32768xf32, #tpu.memory_space<vmem>>[vector<16xi32>], vector<16xf32>,
        %parallel_loop3A_290 = arith.constant 1 : i32
        %parallel_loop3A_291 = vector.broadcast %parallel_loop3A_290 : i32 to vector<16xi32>
        %parallel_loop3A_292 = arith.addi %parallel_loop3A_284, %parallel_loop3A_291 : vector<16xi32>
        %parallel_loop3A_293 = tpu.vector_load_idx %arg8[%parallel_loop3A_292] : memref<32768xf32, #tpu.memory_space<vmem>>[vector<16xi32>], vector<16xf32>,
        %parallel_loop3A_294 = arith.subf %parallel_loop3A_293, %parallel_loop3A_289 : vector<16xf32>
        %parallel_loop3A_295 = arith.mulf %parallel_loop3A_288, %parallel_loop3A_294 : vector<16xf32>
        %parallel_loop3A_296 = arith.addf %parallel_loop3A_289, %parallel_loop3A_295 : vector<16xf32>
        %parallel_loop3A_297 = arith.constant 16 : i32
        %parallel_loop3A_298 = arith.muli %parallel_loop3A_277, %parallel_loop3A_297 : i32
        %parallel_loop3A_299 = arith.constant 0 : i32
        %parallel_loop3A_300 = arith.addi %parallel_loop3A_299, %parallel_loop3A_298 : i32
        %parallel_loop3A_301 = arith.index_cast %parallel_loop3A_300 : i32 to index
        %parallel_loop3A_302 = tpu.vector_load %arg9[%parallel_loop3A_301] {strides = array<i32>} : memref<8192xf32, #tpu.memory_space<vmem>>, vector<16xf32>,
        tpu.vector_store %arg9[%parallel_loop3A_301], %parallel_loop3A_296 {strides = array<i32>} : memref<8192xf32, #tpu.memory_space<vmem>>, vector<16xf32>,
      } {sc.loop_unroll_factor = 8 : i64, sc.parallel_access}
      %dma_start3A_141 = arith.constant 0 : i32
      %dma_start3A_142 = tpu.memref_slice %arg9[%dma_start3A_141] : memref<8192xf32, #tpu.memory_space<vmem>> -> memref<2048xf32, #tpu.memory_space<vmem>>
      %dma_start3A_143 = arith.constant 0 : i32
      %dma_start3A_144 = tpu.memref_slice %arg4[%add3A_125, %dma_start3A_143] : memref<2048x2048xf32, #tpu.memory_space<hbm>> -> memref<1x2048xf32, #tpu.memory_space<hbm>>
      %dma_start3A_145 = tpu.memref_squeeze %dma_start3A_144 : memref<1x2048xf32, #tpu.memory_space<hbm>> -> memref<2048xf32, #tpu.memory_space<hbm>>
      %dma_start3A_146 = arith.constant 0 : i32
      %dma_start3A_147 = tpu.memref_slice %arg4[%add3A_125, %dma_start3A_146] : memref<2048x2048xf32, #tpu.memory_space<hbm>> -> memref<1x2048xf32, #tpu.memory_space<hbm>>
      %dma_start3A_148 = tpu.memref_squeeze %dma_start3A_147 : memref<1x2048xf32, #tpu.memory_space<hbm>> -> memref<2048xf32, #tpu.memory_space<hbm>>
      %dma_start3A_149 = arith.constant 0 : i32
      %dma_start3A_150 = tpu.memref_slice %arg9[%dma_start3A_149] : memref<8192xf32, #tpu.memory_space<vmem>> -> memref<2048xf32, #tpu.memory_space<vmem>>
      tpu.enqueue_dma source(%dma_start3A_150 : memref<2048xf32, #tpu.memory_space<vmem>>) target(%dma_start3A_148 : memref<2048xf32, #tpu.memory_space<hbm>>) target_semaphore(%arg14 : memref<!tpu.dma_semaphore, #tpu.memory_space<semaphore_mem>>)
      %add3A_151 = arith.constant 4 : i32
      %add3A_152 = arith.addi %add3A_124, %add3A_151 : i32
      %lt3A = arith.constant 64 : i32
      %lt3A_153 = arith.cmpi slt, %add3A_152, %lt3A : i32
      %convert_element_type3A_154 = arith.extui %lt3A_153 : i1 to i32
      %cond3A_155 = arith.constant 0 : i32
      %cond3A_156 = arith.cmpi ne, %convert_element_type3A_154, %cond3A_155 : i32
      scf.if %cond3A_156 {
        %add3A_277 = arith.constant 4 : i32
        %add3A_278 = arith.addi %add3A_125, %add3A_277 : i32
        %dma_start3A_279 = arith.constant 0 : i32
        %dma_start3A_280 = tpu.memref_slice %arg8[%dma_start3A_279] : memref<32768xf32, #tpu.memory_space<vmem>> -> memref<8192xf32, #tpu.memory_space<vmem>>
        %dma_start3A_281 = arith.constant 0 : i32
        %dma_start3A_282 = tpu.memref_slice %arg3[%add3A_278, %dma_start3A_281] : memref<2048x8192xf32, #tpu.memory_space<hbm>> -> memref<1x8192xf32, #tpu.memory_space<hbm>>
        %dma_start3A_283 = tpu.memref_squeeze %dma_start3A_282 : memref<1x8192xf32, #tpu.memory_space<hbm>> -> memref<8192xf32, #tpu.memory_space<hbm>>
        %dma_start3A_284 = arith.constant 0 : i32
        %dma_start3A_285 = tpu.memref_slice %arg8[%dma_start3A_284] : memref<32768xf32, #tpu.memory_space<vmem>> -> memref<8192xf32, #tpu.memory_space<vmem>>
        %dma_start3A_286 = arith.constant 0 : i32
        %dma_start3A_287 = tpu.memref_slice %arg3[%add3A_278, %dma_start3A_286] : memref<2048x8192xf32, #tpu.memory_space<hbm>> -> memref<1x8192xf32, #tpu.memory_space<hbm>>
        %dma_start3A_288 = tpu.memref_squeeze %dma_start3A_287 : memref<1x8192xf32, #tpu.memory_space<hbm>> -> memref<8192xf32, #tpu.memory_space<hbm>>
        tpu.enqueue_dma source(%dma_start3A_288 : memref<8192xf32, #tpu.memory_space<hbm>>) target(%dma_start3A_285 : memref<8192xf32, #tpu.memory_space<vmem>>) target_semaphore(%arg10 : memref<!tpu.dma_semaphore, #tpu.memory_space<semaphore_mem>>)
      } else {
      }
      %mul3A_157 = arith.constant 4 : i32
      %mul3A_158 = arith.muli %scan3A_120, %mul3A_157 : i32
      %add3A_159 = arith.constant 1 : i32
      %add3A_160 = arith.addi %mul3A_158, %add3A_159 : i32
      %add3A_161 = arith.addi %mul3A_2, %add3A_160 : i32
      %dma_wait3A_162 = arith.constant 8192 : i32
      %dma_wait3A_163 = tpu.memref_slice %arg8[%dma_wait3A_162] : memref<32768xf32, #tpu.memory_space<vmem>> -> memref<8192xf32, #tpu.memory_space<vmem>>
      %dma_wait3A_164 = arith.constant 0 : i32
      %dma_wait3A_165 = tpu.memref_slice %arg3[%add3A_161, %dma_wait3A_164] : memref<2048x8192xf32, #tpu.memory_space<hbm>> -> memref<1x8192xf32, #tpu.memory_space<hbm>>
      %dma_wait3A_166 = tpu.memref_squeeze %dma_wait3A_165 : memref<1x8192xf32, #tpu.memory_space<hbm>> -> memref<8192xf32, #tpu.memory_space<hbm>>
      %dma_wait3A_167 = arith.constant 8192 : i32
      %dma_wait3A_168 = tpu.memref_slice %arg8[%dma_wait3A_167] : memref<32768xf32, #tpu.memory_space<vmem>> -> memref<8192xf32, #tpu.memory_space<vmem>>
      %dma_wait3A_169 = arith.constant 0 : i32
      %dma_wait3A_170 = tpu.memref_slice %arg3[%add3A_161, %dma_wait3A_169] : memref<2048x8192xf32, #tpu.memory_space<hbm>> -> memref<1x8192xf32, #tpu.memory_space<hbm>>
      %dma_wait3A_171 = tpu.memref_squeeze %dma_wait3A_170 : memref<1x8192xf32, #tpu.memory_space<hbm>> -> memref<8192xf32, #tpu.memory_space<hbm>>
      tpu.wait_dma2 semaphore(%arg11 : memref<!tpu.dma_semaphore, #tpu.memory_space<semaphore_mem>>) src(%dma_wait3A_171 : memref<8192xf32, #tpu.memory_space<hbm>>) dst(%dma_wait3A_168 : memref<8192xf32, #tpu.memory_space<vmem>>)
      %gt3A_172 = arith.constant 0 : i32
      %gt3A_173 = arith.cmpi sgt, %scan3A_120, %gt3A_172 : i32
      %convert_element_type3A_174 = arith.extui %gt3A_173 : i1 to i32
      %cond3A_175 = arith.constant 0 : i32
      %cond3A_176 = arith.cmpi ne, %convert_element_type3A_174, %cond3A_175 : i32
      scf.if %cond3A_176 {
        %sub3A_277 = arith.constant 4 : i32
        %sub3A_278 = arith.subi %add3A_161, %sub3A_277 : i32
        %dma_wait3A_279 = arith.constant 2048 : i32
        %dma_wait3A_280 = tpu.memref_slice %arg9[%dma_wait3A_279] : memref<8192xf32, #tpu.memory_space<vmem>> -> memref<2048xf32, #tpu.memory_space<vmem>>
        %dma_wait3A_281 = arith.constant 0 : i32
        %dma_wait3A_282 = tpu.memref_slice %arg4[%sub3A_278, %dma_wait3A_281] : memref<2048x2048xf32, #tpu.memory_space<hbm>> -> memref<1x2048xf32, #tpu.memory_space<hbm>>
        %dma_wait3A_283 = tpu.memref_squeeze %dma_wait3A_282 : memref<1x2048xf32, #tpu.memory_space<hbm>> -> memref<2048xf32, #tpu.memory_space<hbm>>
        %dma_wait3A_284 = arith.constant 0 : i32
        %dma_wait3A_285 = tpu.memref_slice %arg4[%sub3A_278, %dma_wait3A_284] : memref<2048x2048xf32, #tpu.memory_space<hbm>> -> memref<1x2048xf32, #tpu.memory_space<hbm>>
        %dma_wait3A_286 = tpu.memref_squeeze %dma_wait3A_285 : memref<1x2048xf32, #tpu.memory_space<hbm>> -> memref<2048xf32, #tpu.memory_space<hbm>>
        %dma_wait3A_287 = arith.constant 2048 : i32
        %dma_wait3A_288 = tpu.memref_slice %arg9[%dma_wait3A_287] : memref<8192xf32, #tpu.memory_space<vmem>> -> memref<2048xf32, #tpu.memory_space<vmem>>
        tpu.wait_dma2 semaphore(%arg15 : memref<!tpu.dma_semaphore, #tpu.memory_space<semaphore_mem>>) src(%dma_wait3A_288 : memref<2048xf32, #tpu.memory_space<vmem>>) dst(%dma_wait3A_286 : memref<2048xf32, #tpu.memory_space<hbm>>)
      } else {
      }
      %parallel_loop3A_177 = arith.constant 0 : i32
      %parallel_loop3A_178 = arith.constant 128 : i32
      %parallel_loop3A_179 = arith.constant 1 : i32
      scf.for %parallel_loop3A_277 = %parallel_loop3A_177 to %parallel_loop3A_178 step %parallel_loop3A_179  : i32 {
        %parallel_loop3A_278 = arith.constant 16 : i32
        %parallel_loop3A_279 = arith.muli %parallel_loop3A_277, %parallel_loop3A_278 : i32
        %parallel_loop3A_280 = arith.index_cast %parallel_loop3A_279 : i32 to index
        %parallel_loop3A_281 = tpu.vector_load %arg6[%parallel_loop3A_280] {strides = array<i32>} : memref<2048xi32, #tpu.memory_space<vmem>>, vector<16xi32>,
        %parallel_loop3A_282 = arith.constant 8192 : i32
        %parallel_loop3A_283 = vector.broadcast %parallel_loop3A_282 : i32 to vector<16xi32>
        %parallel_loop3A_284 = arith.addi %parallel_loop3A_281, %parallel_loop3A_283 : vector<16xi32>
        %parallel_loop3A_285 = arith.constant 16 : i32
        %parallel_loop3A_286 = arith.muli %parallel_loop3A_277, %parallel_loop3A_285 : i32
        %parallel_loop3A_287 = arith.index_cast %parallel_loop3A_286 : i32 to index
        %parallel_loop3A_288 = tpu.vector_load %arg7[%parallel_loop3A_287] {strides = array<i32>} : memref<2048xf32, #tpu.memory_space<vmem>>, vector<16xf32>,
        %parallel_loop3A_289 = tpu.vector_load_idx %arg8[%parallel_loop3A_284] : memref<32768xf32, #tpu.memory_space<vmem>>[vector<16xi32>], vector<16xf32>,
        %parallel_loop3A_290 = arith.constant 1 : i32
        %parallel_loop3A_291 = vector.broadcast %parallel_loop3A_290 : i32 to vector<16xi32>
        %parallel_loop3A_292 = arith.addi %parallel_loop3A_284, %parallel_loop3A_291 : vector<16xi32>
        %parallel_loop3A_293 = tpu.vector_load_idx %arg8[%parallel_loop3A_292] : memref<32768xf32, #tpu.memory_space<vmem>>[vector<16xi32>], vector<16xf32>,
        %parallel_loop3A_294 = arith.subf %parallel_loop3A_293, %parallel_loop3A_289 : vector<16xf32>
        %parallel_loop3A_295 = arith.mulf %parallel_loop3A_288, %parallel_loop3A_294 : vector<16xf32>
        %parallel_loop3A_296 = arith.addf %parallel_loop3A_289, %parallel_loop3A_295 : vector<16xf32>
        %parallel_loop3A_297 = arith.constant 16 : i32
        %parallel_loop3A_298 = arith.muli %parallel_loop3A_277, %parallel_loop3A_297 : i32
        %parallel_loop3A_299 = arith.constant 2048 : i32
        %parallel_loop3A_300 = arith.addi %parallel_loop3A_299, %parallel_loop3A_298 : i32
        %parallel_loop3A_301 = arith.index_cast %parallel_loop3A_300 : i32 to index
        %parallel_loop3A_302 = tpu.vector_load %arg9[%parallel_loop3A_301] {strides = array<i32>} : memref<8192xf32, #tpu.memory_space<vmem>>, vector<16xf32>,
        tpu.vector_store %arg9[%parallel_loop3A_301], %parallel_loop3A_296 {strides = array<i32>} : memref<8192xf32, #tpu.memory_space<vmem>>, vector<16xf32>,
      } {sc.loop_unroll_factor = 8 : i64, sc.parallel_access}
      %dma_start3A_180 = arith.constant 2048 : i32
      %dma_start3A_181 = tpu.memref_slice %arg9[%dma_start3A_180] : memref<8192xf32, #tpu.memory_space<vmem>> -> memref<2048xf32, #tpu.memory_space<vmem>>
      %dma_start3A_182 = arith.constant 0 : i32
      %dma_start3A_183 = tpu.memref_slice %arg4[%add3A_161, %dma_start3A_182] : memref<2048x2048xf32, #tpu.memory_space<hbm>> -> memref<1x2048xf32, #tpu.memory_space<hbm>>
      %dma_start3A_184 = tpu.memref_squeeze %dma_start3A_183 : memref<1x2048xf32, #tpu.memory_space<hbm>> -> memref<2048xf32, #tpu.memory_space<hbm>>
      %dma_start3A_185 = arith.constant 0 : i32
      %dma_start3A_186 = tpu.memref_slice %arg4[%add3A_161, %dma_start3A_185] : memref<2048x2048xf32, #tpu.memory_space<hbm>> -> memref<1x2048xf32, #tpu.memory_space<hbm>>
      %dma_start3A_187 = tpu.memref_squeeze %dma_start3A_186 : memref<1x2048xf32, #tpu.memory_space<hbm>> -> memref<2048xf32, #tpu.memory_space<hbm>>
      %dma_start3A_188 = arith.constant 2048 : i32
      %dma_start3A_189 = tpu.memref_slice %arg9[%dma_start3A_188] : memref<8192xf32, #tpu.memory_space<vmem>> -> memref<2048xf32, #tpu.memory_space<vmem>>
      tpu.enqueue_dma source(%dma_start3A_189 : memref<2048xf32, #tpu.memory_space<vmem>>) target(%dma_start3A_187 : memref<2048xf32, #tpu.memory_space<hbm>>) target_semaphore(%arg15 : memref<!tpu.dma_semaphore, #tpu.memory_space<semaphore_mem>>)
      %add3A_190 = arith.constant 4 : i32
      %add3A_191 = arith.addi %add3A_160, %add3A_190 : i32
      %lt3A_192 = arith.constant 64 : i32
      %lt3A_193 = arith.cmpi slt, %add3A_191, %lt3A_192 : i32
      %convert_element_type3A_194 = arith.extui %lt3A_193 : i1 to i32
      %cond3A_195 = arith.constant 0 : i32
      %cond3A_196 = arith.cmpi ne, %convert_element_type3A_194, %cond3A_195 : i32
      scf.if %cond3A_196 {
        %add3A_277 = arith.constant 4 : i32
        %add3A_278 = arith.addi %add3A_161, %add3A_277 : i32
        %dma_start3A_279 = arith.constant 8192 : i32
        %dma_start3A_280 = tpu.memref_slice %arg8[%dma_start3A_279] : memref<32768xf32, #tpu.memory_space<vmem>> -> memref<8192xf32, #tpu.memory_space<vmem>>
        %dma_start3A_281 = arith.constant 0 : i32
        %dma_start3A_282 = tpu.memref_slice %arg3[%add3A_278, %dma_start3A_281] : memref<2048x8192xf32, #tpu.memory_space<hbm>> -> memref<1x8192xf32, #tpu.memory_space<hbm>>
        %dma_start3A_283 = tpu.memref_squeeze %dma_start3A_282 : memref<1x8192xf32, #tpu.memory_space<hbm>> -> memref<8192xf32, #tpu.memory_space<hbm>>
        %dma_start3A_284 = arith.constant 8192 : i32
        %dma_start3A_285 = tpu.memref_slice %arg8[%dma_start3A_284] : memref<32768xf32, #tpu.memory_space<vmem>> -> memref<8192xf32, #tpu.memory_space<vmem>>
        %dma_start3A_286 = arith.constant 0 : i32
        %dma_start3A_287 = tpu.memref_slice %arg3[%add3A_278, %dma_start3A_286] : memref<2048x8192xf32, #tpu.memory_space<hbm>> -> memref<1x8192xf32, #tpu.memory_space<hbm>>
        %dma_start3A_288 = tpu.memref_squeeze %dma_start3A_287 : memref<1x8192xf32, #tpu.memory_space<hbm>> -> memref<8192xf32, #tpu.memory_space<hbm>>
        tpu.enqueue_dma source(%dma_start3A_288 : memref<8192xf32, #tpu.memory_space<hbm>>) target(%dma_start3A_285 : memref<8192xf32, #tpu.memory_space<vmem>>) target_semaphore(%arg11 : memref<!tpu.dma_semaphore, #tpu.memory_space<semaphore_mem>>)
      } else {
      }
      %mul3A_197 = arith.constant 4 : i32
      %mul3A_198 = arith.muli %scan3A_120, %mul3A_197 : i32
      %add3A_199 = arith.constant 2 : i32
      %add3A_200 = arith.addi %mul3A_198, %add3A_199 : i32
      %add3A_201 = arith.addi %mul3A_2, %add3A_200 : i32
      %dma_wait3A_202 = arith.constant 16384 : i32
      %dma_wait3A_203 = tpu.memref_slice %arg8[%dma_wait3A_202] : memref<32768xf32, #tpu.memory_space<vmem>> -> memref<8192xf32, #tpu.memory_space<vmem>>
      %dma_wait3A_204 = arith.constant 0 : i32
      %dma_wait3A_205 = tpu.memref_slice %arg3[%add3A_201, %dma_wait3A_204] : memref<2048x8192xf32, #tpu.memory_space<hbm>> -> memref<1x8192xf32, #tpu.memory_space<hbm>>
      %dma_wait3A_206 = tpu.memref_squeeze %dma_wait3A_205 : memref<1x8192xf32, #tpu.memory_space<hbm>> -> memref<8192xf32, #tpu.memory_space<hbm>>
      %dma_wait3A_207 = arith.constant 16384 : i32
      %dma_wait3A_208 = tpu.memref_slice %arg8[%dma_wait3A_207] : memref<32768xf32, #tpu.memory_space<vmem>> -> memref<8192xf32, #tpu.memory_space<vmem>>
      %dma_wait3A_209 = arith.constant 0 : i32
      %dma_wait3A_210 = tpu.memref_slice %arg3[%add3A_201, %dma_wait3A_209] : memref<2048x8192xf32, #tpu.memory_space<hbm>> -> memref<1x8192xf32, #tpu.memory_space<hbm>>
      %dma_wait3A_211 = tpu.memref_squeeze %dma_wait3A_210 : memref<1x8192xf32, #tpu.memory_space<hbm>> -> memref<8192xf32, #tpu.memory_space<hbm>>
      tpu.wait_dma2 semaphore(%arg12 : memref<!tpu.dma_semaphore, #tpu.memory_space<semaphore_mem>>) src(%dma_wait3A_211 : memref<8192xf32, #tpu.memory_space<hbm>>) dst(%dma_wait3A_208 : memref<8192xf32, #tpu.memory_space<vmem>>)
      %gt3A_212 = arith.constant 0 : i32
      %gt3A_213 = arith.cmpi sgt, %scan3A_120, %gt3A_212 : i32
      %convert_element_type3A_214 = arith.extui %gt3A_213 : i1 to i32
      %cond3A_215 = arith.constant 0 : i32
      %cond3A_216 = arith.cmpi ne, %convert_element_type3A_214, %cond3A_215 : i32
      scf.if %cond3A_216 {
        %sub3A_277 = arith.constant 4 : i32
        %sub3A_278 = arith.subi %add3A_201, %sub3A_277 : i32
        %dma_wait3A_279 = arith.constant 4096 : i32
        %dma_wait3A_280 = tpu.memref_slice %arg9[%dma_wait3A_279] : memref<8192xf32, #tpu.memory_space<vmem>> -> memref<2048xf32, #tpu.memory_space<vmem>>
        %dma_wait3A_281 = arith.constant 0 : i32
        %dma_wait3A_282 = tpu.memref_slice %arg4[%sub3A_278, %dma_wait3A_281] : memref<2048x2048xf32, #tpu.memory_space<hbm>> -> memref<1x2048xf32, #tpu.memory_space<hbm>>
        %dma_wait3A_283 = tpu.memref_squeeze %dma_wait3A_282 : memref<1x2048xf32, #tpu.memory_space<hbm>> -> memref<2048xf32, #tpu.memory_space<hbm>>
        %dma_wait3A_284 = arith.constant 0 : i32
        %dma_wait3A_285 = tpu.memref_slice %arg4[%sub3A_278, %dma_wait3A_284] : memref<2048x2048xf32, #tpu.memory_space<hbm>> -> memref<1x2048xf32, #tpu.memory_space<hbm>>
        %dma_wait3A_286 = tpu.memref_squeeze %dma_wait3A_285 : memref<1x2048xf32, #tpu.memory_space<hbm>> -> memref<2048xf32, #tpu.memory_space<hbm>>
        %dma_wait3A_287 = arith.constant 4096 : i32
        %dma_wait3A_288 = tpu.memref_slice %arg9[%dma_wait3A_287] : memref<8192xf32, #tpu.memory_space<vmem>> -> memref<2048xf32, #tpu.memory_space<vmem>>
        tpu.wait_dma2 semaphore(%arg16 : memref<!tpu.dma_semaphore, #tpu.memory_space<semaphore_mem>>) src(%dma_wait3A_288 : memref<2048xf32, #tpu.memory_space<vmem>>) dst(%dma_wait3A_286 : memref<2048xf32, #tpu.memory_space<hbm>>)
      } else {
      }
      %parallel_loop3A_217 = arith.constant 0 : i32
      %parallel_loop3A_218 = arith.constant 128 : i32
      %parallel_loop3A_219 = arith.constant 1 : i32
      scf.for %parallel_loop3A_277 = %parallel_loop3A_217 to %parallel_loop3A_218 step %parallel_loop3A_219  : i32 {
        %parallel_loop3A_278 = arith.constant 16 : i32
        %parallel_loop3A_279 = arith.muli %parallel_loop3A_277, %parallel_loop3A_278 : i32
        %parallel_loop3A_280 = arith.index_cast %parallel_loop3A_279 : i32 to index
        %parallel_loop3A_281 = tpu.vector_load %arg6[%parallel_loop3A_280] {strides = array<i32>} : memref<2048xi32, #tpu.memory_space<vmem>>, vector<16xi32>,
        %parallel_loop3A_282 = arith.constant 16384 : i32
        %parallel_loop3A_283 = vector.broadcast %parallel_loop3A_282 : i32 to vector<16xi32>
        %parallel_loop3A_284 = arith.addi %parallel_loop3A_281, %parallel_loop3A_283 : vector<16xi32>
        %parallel_loop3A_285 = arith.constant 16 : i32
        %parallel_loop3A_286 = arith.muli %parallel_loop3A_277, %parallel_loop3A_285 : i32
        %parallel_loop3A_287 = arith.index_cast %parallel_loop3A_286 : i32 to index
        %parallel_loop3A_288 = tpu.vector_load %arg7[%parallel_loop3A_287] {strides = array<i32>} : memref<2048xf32, #tpu.memory_space<vmem>>, vector<16xf32>,
        %parallel_loop3A_289 = tpu.vector_load_idx %arg8[%parallel_loop3A_284] : memref<32768xf32, #tpu.memory_space<vmem>>[vector<16xi32>], vector<16xf32>,
        %parallel_loop3A_290 = arith.constant 1 : i32
        %parallel_loop3A_291 = vector.broadcast %parallel_loop3A_290 : i32 to vector<16xi32>
        %parallel_loop3A_292 = arith.addi %parallel_loop3A_284, %parallel_loop3A_291 : vector<16xi32>
        %parallel_loop3A_293 = tpu.vector_load_idx %arg8[%parallel_loop3A_292] : memref<32768xf32, #tpu.memory_space<vmem>>[vector<16xi32>], vector<16xf32>,
        %parallel_loop3A_294 = arith.subf %parallel_loop3A_293, %parallel_loop3A_289 : vector<16xf32>
        %parallel_loop3A_295 = arith.mulf %parallel_loop3A_288, %parallel_loop3A_294 : vector<16xf32>
        %parallel_loop3A_296 = arith.addf %parallel_loop3A_289, %parallel_loop3A_295 : vector<16xf32>
        %parallel_loop3A_297 = arith.constant 16 : i32
        %parallel_loop3A_298 = arith.muli %parallel_loop3A_277, %parallel_loop3A_297 : i32
        %parallel_loop3A_299 = arith.constant 4096 : i32
        %parallel_loop3A_300 = arith.addi %parallel_loop3A_299, %parallel_loop3A_298 : i32
        %parallel_loop3A_301 = arith.index_cast %parallel_loop3A_300 : i32 to index
        %parallel_loop3A_302 = tpu.vector_load %arg9[%parallel_loop3A_301] {strides = array<i32>} : memref<8192xf32, #tpu.memory_space<vmem>>, vector<16xf32>,
        tpu.vector_store %arg9[%parallel_loop3A_301], %parallel_loop3A_296 {strides = array<i32>} : memref<8192xf32, #tpu.memory_space<vmem>>, vector<16xf32>,
      } {sc.loop_unroll_factor = 8 : i64, sc.parallel_access}
      %dma_start3A_220 = arith.constant 4096 : i32
      %dma_start3A_221 = tpu.memref_slice %arg9[%dma_start3A_220] : memref<8192xf32, #tpu.memory_space<vmem>> -> memref<2048xf32, #tpu.memory_space<vmem>>
      %dma_start3A_222 = arith.constant 0 : i32
      %dma_start3A_223 = tpu.memref_slice %arg4[%add3A_201, %dma_start3A_222] : memref<2048x2048xf32, #tpu.memory_space<hbm>> -> memref<1x2048xf32, #tpu.memory_space<hbm>>
      %dma_start3A_224 = tpu.memref_squeeze %dma_start3A_223 : memref<1x2048xf32, #tpu.memory_space<hbm>> -> memref<2048xf32, #tpu.memory_space<hbm>>
      %dma_start3A_225 = arith.constant 0 : i32
      %dma_start3A_226 = tpu.memref_slice %arg4[%add3A_201, %dma_start3A_225] : memref<2048x2048xf32, #tpu.memory_space<hbm>> -> memref<1x2048xf32, #tpu.memory_space<hbm>>
      %dma_start3A_227 = tpu.memref_squeeze %dma_start3A_226 : memref<1x2048xf32, #tpu.memory_space<hbm>> -> memref<2048xf32, #tpu.memory_space<hbm>>
      %dma_start3A_228 = arith.constant 4096 : i32
      %dma_start3A_229 = tpu.memref_slice %arg9[%dma_start3A_228] : memref<8192xf32, #tpu.memory_space<vmem>> -> memref<2048xf32, #tpu.memory_space<vmem>>
      tpu.enqueue_dma source(%dma_start3A_229 : memref<2048xf32, #tpu.memory_space<vmem>>) target(%dma_start3A_227 : memref<2048xf32, #tpu.memory_space<hbm>>) target_semaphore(%arg16 : memref<!tpu.dma_semaphore, #tpu.memory_space<semaphore_mem>>)
      %add3A_230 = arith.constant 4 : i32
      %add3A_231 = arith.addi %add3A_200, %add3A_230 : i32
      %lt3A_232 = arith.constant 64 : i32
      %lt3A_233 = arith.cmpi slt, %add3A_231, %lt3A_232 : i32
      %convert_element_type3A_234 = arith.extui %lt3A_233 : i1 to i32
      %cond3A_235 = arith.constant 0 : i32
      %cond3A_236 = arith.cmpi ne, %convert_element_type3A_234, %cond3A_235 : i32
      scf.if %cond3A_236 {
        %add3A_277 = arith.constant 4 : i32
        %add3A_278 = arith.addi %add3A_201, %add3A_277 : i32
        %dma_start3A_279 = arith.constant 16384 : i32
        %dma_start3A_280 = tpu.memref_slice %arg8[%dma_start3A_279] : memref<32768xf32, #tpu.memory_space<vmem>> -> memref<8192xf32, #tpu.memory_space<vmem>>
        %dma_start3A_281 = arith.constant 0 : i32
        %dma_start3A_282 = tpu.memref_slice %arg3[%add3A_278, %dma_start3A_281] : memref<2048x8192xf32, #tpu.memory_space<hbm>> -> memref<1x8192xf32, #tpu.memory_space<hbm>>
        %dma_start3A_283 = tpu.memref_squeeze %dma_start3A_282 : memref<1x8192xf32, #tpu.memory_space<hbm>> -> memref<8192xf32, #tpu.memory_space<hbm>>
        %dma_start3A_284 = arith.constant 16384 : i32
        %dma_start3A_285 = tpu.memref_slice %arg8[%dma_start3A_284] : memref<32768xf32, #tpu.memory_space<vmem>> -> memref<8192xf32, #tpu.memory_space<vmem>>
        %dma_start3A_286 = arith.constant 0 : i32
        %dma_start3A_287 = tpu.memref_slice %arg3[%add3A_278, %dma_start3A_286] : memref<2048x8192xf32, #tpu.memory_space<hbm>> -> memref<1x8192xf32, #tpu.memory_space<hbm>>
        %dma_start3A_288 = tpu.memref_squeeze %dma_start3A_287 : memref<1x8192xf32, #tpu.memory_space<hbm>> -> memref<8192xf32, #tpu.memory_space<hbm>>
        tpu.enqueue_dma source(%dma_start3A_288 : memref<8192xf32, #tpu.memory_space<hbm>>) target(%dma_start3A_285 : memref<8192xf32, #tpu.memory_space<vmem>>) target_semaphore(%arg12 : memref<!tpu.dma_semaphore, #tpu.memory_space<semaphore_mem>>)
      } else {
      }
      %mul3A_237 = arith.constant 4 : i32
      %mul3A_238 = arith.muli %scan3A_120, %mul3A_237 : i32
      %add3A_239 = arith.constant 3 : i32
      %add3A_240 = arith.addi %mul3A_238, %add3A_239 : i32
      %add3A_241 = arith.addi %mul3A_2, %add3A_240 : i32
      %dma_wait3A_242 = arith.constant 24576 : i32
      %dma_wait3A_243 = tpu.memref_slice %arg8[%dma_wait3A_242] : memref<32768xf32, #tpu.memory_space<vmem>> -> memref<8192xf32, #tpu.memory_space<vmem>>
      %dma_wait3A_244 = arith.constant 0 : i32
      %dma_wait3A_245 = tpu.memref_slice %arg3[%add3A_241, %dma_wait3A_244] : memref<2048x8192xf32, #tpu.memory_space<hbm>> -> memref<1x8192xf32, #tpu.memory_space<hbm>>
      %dma_wait3A_246 = tpu.memref_squeeze %dma_wait3A_245 : memref<1x8192xf32, #tpu.memory_space<hbm>> -> memref<8192xf32, #tpu.memory_space<hbm>>
      %dma_wait3A_247 = arith.constant 24576 : i32
      %dma_wait3A_248 = tpu.memref_slice %arg8[%dma_wait3A_247] : memref<32768xf32, #tpu.memory_space<vmem>> -> memref<8192xf32, #tpu.memory_space<vmem>>
      %dma_wait3A_249 = arith.constant 0 : i32
      %dma_wait3A_250 = tpu.memref_slice %arg3[%add3A_241, %dma_wait3A_249] : memref<2048x8192xf32, #tpu.memory_space<hbm>> -> memref<1x8192xf32, #tpu.memory_space<hbm>>
      %dma_wait3A_251 = tpu.memref_squeeze %dma_wait3A_250 : memref<1x8192xf32, #tpu.memory_space<hbm>> -> memref<8192xf32, #tpu.memory_space<hbm>>
      tpu.wait_dma2 semaphore(%arg13 : memref<!tpu.dma_semaphore, #tpu.memory_space<semaphore_mem>>) src(%dma_wait3A_251 : memref<8192xf32, #tpu.memory_space<hbm>>) dst(%dma_wait3A_248 : memref<8192xf32, #tpu.memory_space<vmem>>)
      %gt3A_252 = arith.constant 0 : i32
      %gt3A_253 = arith.cmpi sgt, %scan3A_120, %gt3A_252 : i32
      %convert_element_type3A_254 = arith.extui %gt3A_253 : i1 to i32
      %cond3A_255 = arith.constant 0 : i32
      %cond3A_256 = arith.cmpi ne, %convert_element_type3A_254, %cond3A_255 : i32
      scf.if %cond3A_256 {
        %sub3A_277 = arith.constant 4 : i32
        %sub3A_278 = arith.subi %add3A_241, %sub3A_277 : i32
        %dma_wait3A_279 = arith.constant 6144 : i32
        %dma_wait3A_280 = tpu.memref_slice %arg9[%dma_wait3A_279] : memref<8192xf32, #tpu.memory_space<vmem>> -> memref<2048xf32, #tpu.memory_space<vmem>>
        %dma_wait3A_281 = arith.constant 0 : i32
        %dma_wait3A_282 = tpu.memref_slice %arg4[%sub3A_278, %dma_wait3A_281] : memref<2048x2048xf32, #tpu.memory_space<hbm>> -> memref<1x2048xf32, #tpu.memory_space<hbm>>
        %dma_wait3A_283 = tpu.memref_squeeze %dma_wait3A_282 : memref<1x2048xf32, #tpu.memory_space<hbm>> -> memref<2048xf32, #tpu.memory_space<hbm>>
        %dma_wait3A_284 = arith.constant 0 : i32
        %dma_wait3A_285 = tpu.memref_slice %arg4[%sub3A_278, %dma_wait3A_284] : memref<2048x2048xf32, #tpu.memory_space<hbm>> -> memref<1x2048xf32, #tpu.memory_space<hbm>>
        %dma_wait3A_286 = tpu.memref_squeeze %dma_wait3A_285 : memref<1x2048xf32, #tpu.memory_space<hbm>> -> memref<2048xf32, #tpu.memory_space<hbm>>
        %dma_wait3A_287 = arith.constant 6144 : i32
        %dma_wait3A_288 = tpu.memref_slice %arg9[%dma_wait3A_287] : memref<8192xf32, #tpu.memory_space<vmem>> -> memref<2048xf32, #tpu.memory_space<vmem>>
        tpu.wait_dma2 semaphore(%arg17 : memref<!tpu.dma_semaphore, #tpu.memory_space<semaphore_mem>>) src(%dma_wait3A_288 : memref<2048xf32, #tpu.memory_space<vmem>>) dst(%dma_wait3A_286 : memref<2048xf32, #tpu.memory_space<hbm>>)
      } else {
      }
      %parallel_loop3A_257 = arith.constant 0 : i32
      %parallel_loop3A_258 = arith.constant 128 : i32
      %parallel_loop3A_259 = arith.constant 1 : i32
      scf.for %parallel_loop3A_277 = %parallel_loop3A_257 to %parallel_loop3A_258 step %parallel_loop3A_259  : i32 {
        %parallel_loop3A_278 = arith.constant 16 : i32
        %parallel_loop3A_279 = arith.muli %parallel_loop3A_277, %parallel_loop3A_278 : i32
        %parallel_loop3A_280 = arith.index_cast %parallel_loop3A_279 : i32 to index
        %parallel_loop3A_281 = tpu.vector_load %arg6[%parallel_loop3A_280] {strides = array<i32>} : memref<2048xi32, #tpu.memory_space<vmem>>, vector<16xi32>,
        %parallel_loop3A_282 = arith.constant 24576 : i32
        %parallel_loop3A_283 = vector.broadcast %parallel_loop3A_282 : i32 to vector<16xi32>
        %parallel_loop3A_284 = arith.addi %parallel_loop3A_281, %parallel_loop3A_283 : vector<16xi32>
        %parallel_loop3A_285 = arith.constant 16 : i32
        %parallel_loop3A_286 = arith.muli %parallel_loop3A_277, %parallel_loop3A_285 : i32
        %parallel_loop3A_287 = arith.index_cast %parallel_loop3A_286 : i32 to index
        %parallel_loop3A_288 = tpu.vector_load %arg7[%parallel_loop3A_287] {strides = array<i32>} : memref<2048xf32, #tpu.memory_space<vmem>>, vector<16xf32>,
        %parallel_loop3A_289 = tpu.vector_load_idx %arg8[%parallel_loop3A_284] : memref<32768xf32, #tpu.memory_space<vmem>>[vector<16xi32>], vector<16xf32>,
        %parallel_loop3A_290 = arith.constant 1 : i32
        %parallel_loop3A_291 = vector.broadcast %parallel_loop3A_290 : i32 to vector<16xi32>
        %parallel_loop3A_292 = arith.addi %parallel_loop3A_284, %parallel_loop3A_291 : vector<16xi32>
        %parallel_loop3A_293 = tpu.vector_load_idx %arg8[%parallel_loop3A_292] : memref<32768xf32, #tpu.memory_space<vmem>>[vector<16xi32>], vector<16xf32>,
        %parallel_loop3A_294 = arith.subf %parallel_loop3A_293, %parallel_loop3A_289 : vector<16xf32>
        %parallel_loop3A_295 = arith.mulf %parallel_loop3A_288, %parallel_loop3A_294 : vector<16xf32>
        %parallel_loop3A_296 = arith.addf %parallel_loop3A_289, %parallel_loop3A_295 : vector<16xf32>
        %parallel_loop3A_297 = arith.constant 16 : i32
        %parallel_loop3A_298 = arith.muli %parallel_loop3A_277, %parallel_loop3A_297 : i32
        %parallel_loop3A_299 = arith.constant 6144 : i32
        %parallel_loop3A_300 = arith.addi %parallel_loop3A_299, %parallel_loop3A_298 : i32
        %parallel_loop3A_301 = arith.index_cast %parallel_loop3A_300 : i32 to index
        %parallel_loop3A_302 = tpu.vector_load %arg9[%parallel_loop3A_301] {strides = array<i32>} : memref<8192xf32, #tpu.memory_space<vmem>>, vector<16xf32>,
        tpu.vector_store %arg9[%parallel_loop3A_301], %parallel_loop3A_296 {strides = array<i32>} : memref<8192xf32, #tpu.memory_space<vmem>>, vector<16xf32>,
      } {sc.loop_unroll_factor = 8 : i64, sc.parallel_access}
      %dma_start3A_260 = arith.constant 6144 : i32
      %dma_start3A_261 = tpu.memref_slice %arg9[%dma_start3A_260] : memref<8192xf32, #tpu.memory_space<vmem>> -> memref<2048xf32, #tpu.memory_space<vmem>>
      %dma_start3A_262 = arith.constant 0 : i32
      %dma_start3A_263 = tpu.memref_slice %arg4[%add3A_241, %dma_start3A_262] : memref<2048x2048xf32, #tpu.memory_space<hbm>> -> memref<1x2048xf32, #tpu.memory_space<hbm>>
      %dma_start3A_264 = tpu.memref_squeeze %dma_start3A_263 : memref<1x2048xf32, #tpu.memory_space<hbm>> -> memref<2048xf32, #tpu.memory_space<hbm>>
      %dma_start3A_265 = arith.constant 0 : i32
      %dma_start3A_266 = tpu.memref_slice %arg4[%add3A_241, %dma_start3A_265] : memref<2048x2048xf32, #tpu.memory_space<hbm>> -> memref<1x2048xf32, #tpu.memory_space<hbm>>
      %dma_start3A_267 = tpu.memref_squeeze %dma_start3A_266 : memref<1x2048xf32, #tpu.memory_space<hbm>> -> memref<2048xf32, #tpu.memory_space<hbm>>
      %dma_start3A_268 = arith.constant 6144 : i32
      %dma_start3A_269 = tpu.memref_slice %arg9[%dma_start3A_268] : memref<8192xf32, #tpu.memory_space<vmem>> -> memref<2048xf32, #tpu.memory_space<vmem>>
      tpu.enqueue_dma source(%dma_start3A_269 : memref<2048xf32, #tpu.memory_space<vmem>>) target(%dma_start3A_267 : memref<2048xf32, #tpu.memory_space<hbm>>) target_semaphore(%arg17 : memref<!tpu.dma_semaphore, #tpu.memory_space<semaphore_mem>>)
      %add3A_270 = arith.constant 4 : i32
      %add3A_271 = arith.addi %add3A_240, %add3A_270 : i32
      %lt3A_272 = arith.constant 64 : i32
      %lt3A_273 = arith.cmpi slt, %add3A_271, %lt3A_272 : i32
      %convert_element_type3A_274 = arith.extui %lt3A_273 : i1 to i32
      %cond3A_275 = arith.constant 0 : i32
      %cond3A_276 = arith.cmpi ne, %convert_element_type3A_274, %cond3A_275 : i32
      scf.if %cond3A_276 {
        %add3A_277 = arith.constant 4 : i32
        %add3A_278 = arith.addi %add3A_241, %add3A_277 : i32
        %dma_start3A_279 = arith.constant 24576 : i32
        %dma_start3A_280 = tpu.memref_slice %arg8[%dma_start3A_279] : memref<32768xf32, #tpu.memory_space<vmem>> -> memref<8192xf32, #tpu.memory_space<vmem>>
        %dma_start3A_281 = arith.constant 0 : i32
        %dma_start3A_282 = tpu.memref_slice %arg3[%add3A_278, %dma_start3A_281] : memref<2048x8192xf32, #tpu.memory_space<hbm>> -> memref<1x8192xf32, #tpu.memory_space<hbm>>
        %dma_start3A_283 = tpu.memref_squeeze %dma_start3A_282 : memref<1x8192xf32, #tpu.memory_space<hbm>> -> memref<8192xf32, #tpu.memory_space<hbm>>
        %dma_start3A_284 = arith.constant 24576 : i32
        %dma_start3A_285 = tpu.memref_slice %arg8[%dma_start3A_284] : memref<32768xf32, #tpu.memory_space<vmem>> -> memref<8192xf32, #tpu.memory_space<vmem>>
        %dma_start3A_286 = arith.constant 0 : i32
        %dma_start3A_287 = tpu.memref_slice %arg3[%add3A_278, %dma_start3A_286] : memref<2048x8192xf32, #tpu.memory_space<hbm>> -> memref<1x8192xf32, #tpu.memory_space<hbm>>
        %dma_start3A_288 = tpu.memref_squeeze %dma_start3A_287 : memref<1x8192xf32, #tpu.memory_space<hbm>> -> memref<8192xf32, #tpu.memory_space<hbm>>
        tpu.enqueue_dma source(%dma_start3A_288 : memref<8192xf32, #tpu.memory_space<hbm>>) target(%dma_start3A_285 : memref<8192xf32, #tpu.memory_space<vmem>>) target_semaphore(%arg13 : memref<!tpu.dma_semaphore, #tpu.memory_space<semaphore_mem>>)
      } else {
      }
    }
    %scan3A_57 = arith.constant 16 : i32
    %add3A_58 = arith.constant 64 : i32
    %add3A_59 = arith.addi %mul3A_2, %add3A_58 : i32
    %sub3A = arith.constant 4 : i32
    %sub3A_60 = arith.subi %add3A_59, %sub3A : i32
    %add3A_61 = arith.constant 0 : i32
    %add3A_62 = arith.addi %sub3A_60, %add3A_61 : i32
    %dma_wait3A = arith.constant 0 : i32
    %dma_wait3A_63 = tpu.memref_slice %arg9[%dma_wait3A] : memref<8192xf32, #tpu.memory_space<vmem>> -> memref<2048xf32, #tpu.memory_space<vmem>>
    %dma_wait3A_64 = arith.constant 0 : i32
    %dma_wait3A_65 = tpu.memref_slice %arg4[%add3A_62, %dma_wait3A_64] : memref<2048x2048xf32, #tpu.memory_space<hbm>> -> memref<1x2048xf32, #tpu.memory_space<hbm>>
    %dma_wait3A_66 = tpu.memref_squeeze %dma_wait3A_65 : memref<1x2048xf32, #tpu.memory_space<hbm>> -> memref<2048xf32, #tpu.memory_space<hbm>>
    %dma_wait3A_67 = arith.constant 0 : i32
    %dma_wait3A_68 = tpu.memref_slice %arg4[%add3A_62, %dma_wait3A_67] : memref<2048x2048xf32, #tpu.memory_space<hbm>> -> memref<1x2048xf32, #tpu.memory_space<hbm>>
    %dma_wait3A_69 = tpu.memref_squeeze %dma_wait3A_68 : memref<1x2048xf32, #tpu.memory_space<hbm>> -> memref<2048xf32, #tpu.memory_space<hbm>>
    %dma_wait3A_70 = arith.constant 0 : i32
    %dma_wait3A_71 = tpu.memref_slice %arg9[%dma_wait3A_70] : memref<8192xf32, #tpu.memory_space<vmem>> -> memref<2048xf32, #tpu.memory_space<vmem>>
    tpu.wait_dma2 semaphore(%arg14 : memref<!tpu.dma_semaphore, #tpu.memory_space<semaphore_mem>>) src(%dma_wait3A_71 : memref<2048xf32, #tpu.memory_space<vmem>>) dst(%dma_wait3A_69 : memref<2048xf32, #tpu.memory_space<hbm>>)
    %add3A_72 = arith.constant 64 : i32
    %add3A_73 = arith.addi %mul3A_2, %add3A_72 : i32
    %sub3A_74 = arith.constant 4 : i32
    %sub3A_75 = arith.subi %add3A_73, %sub3A_74 : i32
    %add3A_76 = arith.constant 1 : i32
    %add3A_77 = arith.addi %sub3A_75, %add3A_76 : i32
    %dma_wait3A_78 = arith.constant 2048 : i32
    %dma_wait3A_79 = tpu.memref_slice %arg9[%dma_wait3A_78] : memref<8192xf32, #tpu.memory_space<vmem>> -> memref<2048xf32, #tpu.memory_space<vmem>>
    %dma_wait3A_80 = arith.constant 0 : i32
    %dma_wait3A_81 = tpu.memref_slice %arg4[%add3A_77, %dma_wait3A_80] : memref<2048x2048xf32, #tpu.memory_space<hbm>> -> memref<1x2048xf32, #tpu.memory_space<hbm>>
    %dma_wait3A_82 = tpu.memref_squeeze %dma_wait3A_81 : memref<1x2048xf32, #tpu.memory_space<hbm>> -> memref<2048xf32, #tpu.memory_space<hbm>>
    %dma_wait3A_83 = arith.constant 0 : i32
    %dma_wait3A_84 = tpu.memref_slice %arg4[%add3A_77, %dma_wait3A_83] : memref<2048x2048xf32, #tpu.memory_space<hbm>> -> memref<1x2048xf32, #tpu.memory_space<hbm>>
    %dma_wait3A_85 = tpu.memref_squeeze %dma_wait3A_84 : memref<1x2048xf32, #tpu.memory_space<hbm>> -> memref<2048xf32, #tpu.memory_space<hbm>>
    %dma_wait3A_86 = arith.constant 2048 : i32
    %dma_wait3A_87 = tpu.memref_slice %arg9[%dma_wait3A_86] : memref<8192xf32, #tpu.memory_space<vmem>> -> memref<2048xf32, #tpu.memory_space<vmem>>
    tpu.wait_dma2 semaphore(%arg15 : memref<!tpu.dma_semaphore, #tpu.memory_space<semaphore_mem>>) src(%dma_wait3A_87 : memref<2048xf32, #tpu.memory_space<vmem>>) dst(%dma_wait3A_85 : memref<2048xf32, #tpu.memory_space<hbm>>)
    %add3A_88 = arith.constant 64 : i32
    %add3A_89 = arith.addi %mul3A_2, %add3A_88 : i32
    %sub3A_90 = arith.constant 4 : i32
    %sub3A_91 = arith.subi %add3A_89, %sub3A_90 : i32
    %add3A_92 = arith.constant 2 : i32
    %add3A_93 = arith.addi %sub3A_91, %add3A_92 : i32
    %dma_wait3A_94 = arith.constant 4096 : i32
    %dma_wait3A_95 = tpu.memref_slice %arg9[%dma_wait3A_94] : memref<8192xf32, #tpu.memory_space<vmem>> -> memref<2048xf32, #tpu.memory_space<vmem>>
    %dma_wait3A_96 = arith.constant 0 : i32
    %dma_wait3A_97 = tpu.memref_slice %arg4[%add3A_93, %dma_wait3A_96] : memref<2048x2048xf32, #tpu.memory_space<hbm>> -> memref<1x2048xf32, #tpu.memory_space<hbm>>
    %dma_wait3A_98 = tpu.memref_squeeze %dma_wait3A_97 : memref<1x2048xf32, #tpu.memory_space<hbm>> -> memref<2048xf32, #tpu.memory_space<hbm>>
    %dma_wait3A_99 = arith.constant 0 : i32
    %dma_wait3A_100 = tpu.memref_slice %arg4[%add3A_93, %dma_wait3A_99] : memref<2048x2048xf32, #tpu.memory_space<hbm>> -> memref<1x2048xf32, #tpu.memory_space<hbm>>
    %dma_wait3A_101 = tpu.memref_squeeze %dma_wait3A_100 : memref<1x2048xf32, #tpu.memory_space<hbm>> -> memref<2048xf32, #tpu.memory_space<hbm>>
    %dma_wait3A_102 = arith.constant 4096 : i32
    %dma_wait3A_103 = tpu.memref_slice %arg9[%dma_wait3A_102] : memref<8192xf32, #tpu.memory_space<vmem>> -> memref<2048xf32, #tpu.memory_space<vmem>>
    tpu.wait_dma2 semaphore(%arg16 : memref<!tpu.dma_semaphore, #tpu.memory_space<semaphore_mem>>) src(%dma_wait3A_103 : memref<2048xf32, #tpu.memory_space<vmem>>) dst(%dma_wait3A_101 : memref<2048xf32, #tpu.memory_space<hbm>>)
    %add3A_104 = arith.constant 64 : i32
    %add3A_105 = arith.addi %mul3A_2, %add3A_104 : i32
    %sub3A_106 = arith.constant 4 : i32
    %sub3A_107 = arith.subi %add3A_105, %sub3A_106 : i32
    %add3A_108 = arith.constant 3 : i32
    %add3A_109 = arith.addi %sub3A_107, %add3A_108 : i32
    %dma_wait3A_110 = arith.constant 6144 : i32
    %dma_wait3A_111 = tpu.memref_slice %arg9[%dma_wait3A_110] : memref<8192xf32, #tpu.memory_space<vmem>> -> memref<2048xf32, #tpu.memory_space<vmem>>
    %dma_wait3A_112 = arith.constant 0 : i32
    %dma_wait3A_113 = tpu.memref_slice %arg4[%add3A_109, %dma_wait3A_112] : memref<2048x2048xf32, #tpu.memory_space<hbm>> -> memref<1x2048xf32, #tpu.memory_space<hbm>>
    %dma_wait3A_114 = tpu.memref_squeeze %dma_wait3A_113 : memref<1x2048xf32, #tpu.memory_space<hbm>> -> memref<2048xf32, #tpu.memory_space<hbm>>
    %dma_wait3A_115 = arith.constant 0 : i32
    %dma_wait3A_116 = tpu.memref_slice %arg4[%add3A_109, %dma_wait3A_115] : memref<2048x2048xf32, #tpu.memory_space<hbm>> -> memref<1x2048xf32, #tpu.memory_space<hbm>>
    %dma_wait3A_117 = tpu.memref_squeeze %dma_wait3A_116 : memref<1x2048xf32, #tpu.memory_space<hbm>> -> memref<2048xf32, #tpu.memory_space<hbm>>
    %dma_wait3A_118 = arith.constant 6144 : i32
    %dma_wait3A_119 = tpu.memref_slice %arg9[%dma_wait3A_118] : memref<8192xf32, #tpu.memory_space<vmem>> -> memref<2048xf32, #tpu.memory_space<vmem>>
    tpu.wait_dma2 semaphore(%arg17 : memref<!tpu.dma_semaphore, #tpu.memory_space<semaphore_mem>>) src(%dma_wait3A_119 : memref<2048xf32, #tpu.memory_space<vmem>>) dst(%dma_wait3A_117 : memref<2048xf32, #tpu.memory_space<hbm>>)
    return
  }
}

</mosaic_0001>

<sc_bundles>
// kernel: kernel.3.cloned.1.call-start
scs
__scs_entry_jumppad:
0x0: {  	(pc) =	sbr.rel $0x88, $3  }
0x1: {  	(tag) =	ssettag $0x0;
	lr =	simm.s32 $0x1  }
0x2: {  	[smem:$0x3F9F] =	sst lr;
	_ =	strace $0xD0000000  }
0x3: {  	_ = 	snop  }
0x4: {  	_ = 	snop  }
0x5: {  	_ = 	snop  }
0x6: {  	_ = 	snop  }
0x7: {  	_ = 	snop  }
__scs_overlays_trampoline_lowered:
0x8: {  	[smem:$0x3FAE] =	sst s0  }
0x9: {  	[smem:$0x3FAF] =	sst s1  }
0xa: {  	[smem:$0x3FB0] =	sst s2  }
0xb: {  	[smem:$0x3FB1] =	sst s3  }
0xc: {  	[smem:$0x3FB2] =	sst s4  }
0xd: {  	[smem:$0x3FB3] =	sst s5  }
0xe: {  	[smem:$0x3FB4] =	sst s6  }
0xf: {  	[smem:$0x3FB5] =	sst s7  }
0x10: {  	[smem:$0x3FB6] =	sst s8  }
0x11: {  	[smem:$0x3FB7] =	sst s9;
	s0 =	simm.s32 @!p0 $0x0  }
0x12: {  	s1 =	sld [smem:$0x3F9D];
	s0 =	simm.s32 @p0 $0x1  }
0x13: {  	[smem:$0x3FB8] =	sst s0;
	s0 =	simm.s32 @!p1 $0x0  }
0x14: {  	s2 =	sld [smem:$0x3F9C];
	s0 =	simm.s32 @p1 $0x1  }
0x15: {  	[smem:$0x3FB9] =	sst s0;
	s0 =	simm.s32 @!p2 $0x0  }
0x16: {  	s3 =	sld [smem:$0x3FDB];
	s0 =	simm.s32 @p2 $0x1  }
0x17: {  	s4 =	simm.s32 $0x1BF5;
	[smem:$0x3FBB] =	sst s0  }
0x18: {  	s0 =	sld [smem:$0x3F9E];
	_ =	swait.ge [sflag:s4], $0x0  }
0x19: {  	s7 =	sld [smem:$0x3F9F]  }
0x1a: {  	s8 =	sadd.s32 $0xFFFFE003, lr  }
0x1b: {  	s9 =	sadd.s32 $0xFFFFFEF7, lr;
	s5 =	simm.s32 $0xFFFFFFFF;
	p2 =	slt.u32 s8, $0xFFFFF086  }
0x1c: {  	p1 =	slt.u32 s9, $0xF7A;
	s5 =	simm.s32 @!p2 $0x0  }
0x1d: {  	s5 =	simm.s32 @p1 $0x1;
	p0 =	seq.s32 s7, s2  }
0x1e: {  	s7 =	smul.u32 @!p0 $0xF7A, s2;
	p2 =	seq.s32 @!p0 s5, $0x0  }
0x1f: {  	s9 =	smul.u32 $0xF7A, s1;
	s8 =	simm.s32 @!p0 $0x1BF5;
	p2 =	por !p2, p0  }
0x20: {  	[sflag:s8] =	ssyncset.s32 @!p0 $0xFFFFF086;
	s6 =	sadd.s32 @!p0 s3, s7;
	s7 =	simm.s32 @!p0 $0x108  }
0x21: {  	s3 =	sadd.s32 s3, s9;
	s6 =	sadd.s32 @!p0 $0x88, s6;
	s7 =	simm.s32 @p2 $0x1082  }
0x22: {  	[simem:s7], [sflag:s8] =	dma.local @!p0 [hbm:s6], $0xF7A  }
0x23: {  	s9 =	sor.u32 $0xD0000000, s2;
	s6 =	simm.s32 $0x108;
	_ =	swait.ge @!p0 [sflag:s8], $0x0  }
0x24: {  	s3 =	sadd.s32 $0x88, s3;
	s6 =	simm.s32 @!p1 $0x1082;
	[sflag:s4] =	ssyncset.s32 $0xFFFFF086  }
0x25: {  	[simem:s6], [sflag:s4] =	dma.local [hbm:s3], $0xF7A  }
0x26: {  	[smem:$0x3F9F] =	sst s1;
	(tag) =	ssettag s2;
	_ =	strace s9  }
0x27: {  	s1 =	sld [smem:$0x3FAF]  }
0x28: {  	s2 =	sld [smem:$0x3FB0]  }
0x29: {  	s4 =	sld [smem:$0x3FB2]  }
0x2a: {  	p0 =	seq.s32 s5, $0x0;
	s5 =	sld [smem:$0x3FB3]  }
0x2b: {  	s6 =	sld [smem:$0x3FB4]  }
0x2c: {  	s7 =	sld [smem:$0x3FB5]  }
0x2d: {  	s3 =	simm.s32 $0x108;
	s8 =	sld [smem:$0x3FB6]  }
0x2e: {  	s3 =	simm.s32 @!p0 $0x1082;
	s9 =	sld [smem:$0x3FB7]  }
0x2f: {  	lr =	sadd.s32 s0, s3;
	s0 =	sld [smem:$0x3FAE]  }
0x30: {  	s3 =	sld [smem:$0x3FB1]  }
0x31: {  	[smem:$0x3FBA] =	sst s10  }
0x32: {  	s10 =	sld [smem:$0x3FB8];
	_ =	sdelay $0x3  }
0x33: {  	p0 =	seq.s32 s10, $0x1;
	s10 =	sld [smem:$0x3FBA];
	_ =	sdelay $0x3  }
0x34: {  	[smem:$0x3FBA] =	sst s10  }
0x35: {  	s10 =	sld [smem:$0x3FB9];
	_ =	sdelay $0x3  }
0x36: {  	p1 =	seq.s32 s10, $0x1;
	s10 =	sld [smem:$0x3FBA];
	_ =	sdelay $0x3  }
0x37: {  	[smem:$0x3FBA] =	sst s10  }
0x38: {  	s10 =	sld [smem:$0x3FBB]  }
0x39: {  	_ = 	snop;
	(pc) =	sbr.ind lr, $3  }
0x3a: {  	_ = 	snop  }
0x3b: {  	_ = 	snop  }
0x3c: {  	p2 =	seq.s32 s10, $0x1;
	s10 =	sld [smem:$0x3FBA]  }
0x3d: {  	_ =	shalt  }
0x3e: {  	_ =	shalt  }
0x3f: {  	_ =	shalt  }
0x40: {  	_ =	shalt  }
0x41: {  	_ =	shalt  }
0x42: {  	_ =	shalt  }
0x43: {  	_ =	shalt  }
0x44: {  	_ =	shalt  }
0x45: {  	_ =	shalt  }
0x46: {  	_ =	shalt  }
0x47: {  	_ =	shalt  }
0x48: {  	_ =	shalt  }
0x49: {  	_ =	shalt  }
0x4a: {  	_ =	shalt  }
0x4b: {  	_ =	shalt  }
0x4c: {  	_ =	shalt  }
0x4d: {  	_ =	shalt  }
0x4e: {  	_ =	shalt  }
0x4f: {  	_ =	shalt  }
0x50: {  	_ =	shalt  }
0x51: {  	_ =	shalt  }
0x52: {  	_ =	shalt  }
0x53: {  	_ =	shalt  }
0x54: {  	_ =	shalt  }
0x55: {  	_ =	shalt  }
0x56: {  	_ =	shalt  }
0x57: {  	_ =	shalt  }
0x58: {  	_ =	shalt  }
0x59: {  	_ =	shalt  }
0x5a: {  	_ =	shalt  }
0x5b: {  	_ =	shalt  }
0x5c: {  	_ =	shalt  }
0x5d: {  	_ =	shalt  }
0x5e: {  	_ =	shalt  }
0x5f: {  	_ =	shalt  }
0x60: {  	_ =	shalt  }
0x61: {  	_ =	shalt  }
0x62: {  	_ =	shalt  }
0x63: {  	_ =	shalt  }
0x64: {  	_ =	shalt  }
0x65: {  	_ =	shalt  }
0x66: {  	_ =	shalt  }
0x67: {  	_ =	shalt  }
0x68: {  	_ =	shalt  }
0x69: {  	_ =	shalt  }
0x6a: {  	_ =	shalt  }
0x6b: {  	_ =	shalt  }
0x6c: {  	_ =	shalt  }
0x6d: {  	_ =	shalt  }
0x6e: {  	_ =	shalt  }
0x6f: {  	_ =	shalt  }
0x70: {  	_ =	shalt  }
0x71: {  	_ =	shalt  }
0x72: {  	_ =	shalt  }
0x73: {  	_ =	shalt  }
0x74: {  	_ =	shalt  }
0x75: {  	_ =	shalt  }
0x76: {  	_ =	shalt  }
0x77: {  	_ =	shalt  }
0x78: {  	_ =	shalt  }
0x79: {  	_ =	shalt  }
0x7a: {  	_ =	shalt  }
0x7b: {  	_ =	shalt  }
0x7c: {  	_ =	shalt  }
0x7d: {  	_ =	shalt  }
0x7e: {  	_ =	shalt  }
0x7f: {  	_ =	shalt  }
0x80: {  	_ =	shalt  }
0x81: {  	_ =	shalt  }
0x82: {  	_ =	shalt  }
0x83: {  	_ =	shalt  }
0x84: {  	_ =	shalt  }
0x85: {  	_ =	shalt  }
0x86: {  	_ =	shalt  }
0x87: {  	_ =	shalt  }
.Lfunc_end0:
.L_simem_size_0:
called_computation_lowered:
.L_overlay_start_0:
0x88: {  	s2 =	sld [smem:$0x3FD9]  }
0x89: {  	s3 =	sld [smem:$0x3FFE];
	_ =	sdelay $0x1  }
0x8a: {  	s1 =	srdreg.scid  }
0x8b: {  	s0 =	sand.u32 $0x1, s1  }
0x8c: {  	s18 =	sshll.u32 s0, $0xA;
	s2 =	sadd.s32 s3, s2  }
0x8d: {  	s2 =	sadd.s32 s2, s18  }
0x8e: {  	[smem:$0x3FC6] =	sst s2  }
0x8f: {  	_ = 	snop  }
0x90: {  	s2 =	sld [smem:$0x3FC9]  }
0x91: {  	s19 =	sld [smem:$0x3FC8]  }
0x92: {  	s4 =	sld [smem:$0x3FD0];
	(tm) =	ssettm $0x1  }
0x93: {  	s5 =	sld [smem:$0x3FFB];
	_ =	sdelay $0x3  }
0x94: {  	_ =	strace s5  }
0x95: {  	s5 =	sld [smem:$0x3FFC];
	_ =	sdelay $0x3  }
0x96: {  	_ =	strace s5  }
0x97: {  	s5 =	sld [smem:$0x3FFD];
	_ =	sdelay $0x3  }
0x98: {  	_ =	strace s5  }
0x99: {  	_ =	strace $0x8FFFFFFF  }
0x9a: {  	s20 =	sld [smem:$0x3FDB];
	_ =	sdelay $0x1  }
0x9b: {  	s6 =	simm.s32 $_scs_section_size  }
0x9c: {  	s7 =	simm.s32 $_size__tile_overlayer_lowered;
	s8 =	simm.s32 $_tile_overlayer_lowered  }
0x9d: {  	s23 =	simm.s32 $0x1BFF;
	s22 =	sshll.u32 s8, $0x1;
	s5 =	sadd.s32 s6, s20  }
0x9e: {  	s9 =	simm.s32 $0x0;
	s21 =	sshll.u32 s7, $0x1;
	s7 =	sadd.s32 s22, s5  }
0x9f: {  	[timem:s9], [sflag:s23] =	dma.local [hbm:s7], s21  }
0xa0: {  	_ =	swait.ge [sflag:s23], s21  }
0xa1: {  	s6 =	ssub.s32 $0x0, s21;
	[sflag:s23] =	ssyncset.done $0x0  }
0xa2: {  	[sflag:s23] =	ssyncadd.s32 s6;
	_ =	sdelay $0x1  }
0xa3: {  	s24 =	simm.s32 $0x1B8B  }
0xa4: {  	_ =	swait.ge [sflag:s24], $0x1  }
0xa5: {  	[sflag:s24] =	ssyncset.done $0x0  }
0xa6: {  	s25 =	simm.s32 $0x1B8E;
	[sflag:s24] =	ssyncadd.s32 $0xFFFFFFFF  }
0xa7: {  	s26 =	simm.s32 $execute0_lowered;
	[smem:$0x3FD2] =	sst s25  }
0xa8: {  	s6 =	sshll.u32 s26, $0x1;
	_ =	strace $0x80000046;
	[dreg:$0x1] =	wrdreg $0xFFFFFFFF  }
0xa9: {  	s28 =	simm.s32 $_size_execute0_lowered;
	s5 =	sadd.s32 s5, s6;
	[dreg:$0x0] =	wrdreg $0x0  }
0xaa: {  	s6 =	sshll.u32 s28, $0x1;
	[dreg:$0x2] =	wrdreg s5  }
0xab: {  	[dreg:$0x3] =	wrdreg s6  }
0xac: {  	[dreg:$0x4] =	wrdreg $0xC0  }
0xad: {  	_ =	task [dreg:s9], $0x5FFFF  }
0xae: {  	[dreg:$0x1] =	wrdreg $0xFFFFFFFF  }
0xaf: {  	[dreg:$0x0] =	wrdreg $0x60  }
0xb0: {  	[dreg:$0x2] =	wrdreg s2  }
0xb1: {  	[dreg:$0x3] =	wrdreg s19  }
0xb2: {  	[dreg:$0x4] =	wrdreg s4  }
0xb3: {  	[dreg:$0x5] =	wrdreg $0x9  }
0xb4: {  	_ =	task.clear_ibuf [dreg:s9], $0x6FFFF;
	_ =	strace $0x90000046  }
0xb5: {  	s29 =	simm.s32 $0x9;
	_ =	strace $0x80000048  }
0xb6: {  	_ =	swait.ge [sflag:s29], $0x1  }
0xb7: {  	[sflag:s29] =	ssyncadd.s32 $0xFFFFFFFF  }
0xb8: {  	_ =	strace $0x90000048  }
0xb9: {  	_ =	sfence  }
0xba: {  	s30 =	sld [smem:$0x0];
	_ =	sdelay $0x2  }
0xbb: {  	s31 =	sshll.u32 s1, $0xD;
	s1 =	sshrl.u32 s1, $0x2  }
0xbc: {  	s3 =	sand.u32 $0x4000, s31;
	s1 =	sadd.s32 s1, s30  }
0xbd: {  	s0 =	sor.u32 s3, s0;
	s1 =	sshll.u32 s1, $0x11  }
0xbe: {  	s0 =	sor.u32 s1, s0  }
0xbf: {  	s0 =	sadd.s32 $0x8F2B, s0  }
0xc0: {  	[sflag:s0] =	ssyncadd.remote.s32 $0x1  }
0xc1: {  	_ =	sfence.sel $0xFFFF  }
0xc2: {  	[dreg:$0x0] =	wrdreg $0xFFFFFFFF;
	(pc) =	sbr.abs _section_cstart, $3  }
0xc3: {  	[dreg:$0x1] =	wrdreg $0xFFFFFFFF  }
0xc4: {  	_ =	task.clear_ibuf [dreg:s9], $0x2FFFF;
	_ =	strace $0x9FFFFFFF  }
0xc5: {  	(tm) =	ssettm $0x7FFFFFFF  }
tec
execute0_lowered:
.L_overlay_start_1:
0x0: {  	(tag) =	ssettag $0x1  }
0x1: {  	s3 =	rddreg [dreg:$0x1]  }
0x2: {  	s0 =	srdreg.scid;
	s4 =	rddreg [dreg:$0x2]  }
0x3: {  	s1 =	stileid.u32;
	s5 =	simm.s32 $0x0;
	s12 =	simm.s32 $0x80  }
0x4: {  	s13 =	simm.s32 $0x400;
	s14 =	simm.s32 $0x1800;
	s17 =	simm.s32 $0x7800  }
0x5: {  	s18 =	simm.s32 $0x9;
	s19 =	simm.s32 $0x1;
	s20 =	simm.s32 $0x9800  }
0x6: {  	s21 =	simm.s32 $0x2;
	s22 =	simm.s32 $0xA000;
	s0 =	sand.u32 $0x1, s0  }
0x7: {  	s28 =	simm.s32 $0x5;
	s1 =	sshll.u32 s1, $0x7;
	s2 =	sshll.u32 s0, $0x6  }
0x8: {  	s29 =	simm.s32 $0x6;
	s30 =	simm.s32 $0x7;
	s6 =	sor.u32 s2, s1  }
0x9: {  	s31 =	simm.s32 $0x8;
	[smem:$0x7FF] =	sst s5;
	s2 =	sshll.u32 s6, $0xA  }
0xa: {  	s0 =	ssub.s32 $0x2, s0;
	_ =	strace $0x80000047;
	s7 =	sadd.s32 s3, s2  }
.Ltmp0:
0xb: {  	s23 =	sshrl.u32 s0, $0x1;
	s24 =	sadd.s32 $0x10, s7;
	(pc) =	sbr.rel .LBB2_1-.Ltmp0, $4  }
0xc: {  	s0 =	ssub.s32 s0, s23;
	s25 =	sadd.s32 $0x20, s7;
	[dreg:$0x4] =	wrdreg s24  }
0xd: {  	s23 =	simm.s32 $0x3;
	s26 =	sadd.s32 $0x30, s7;
	[dreg:$0x5] =	wrdreg s25  }
0xe: {  	s11 =	smax.u32 s0, $0x1;
	s0 =	simm.s32 $0x0;
	[dreg:$0x6] =	wrdreg s26  }
0xf: {  	s24 =	simm.s32 $0xA800;
	s25 =	simm.s32 $0x4;
	s26 =	simm.s32 $0xB000  }
.LBB2_14:
0x10: {  	_ =	swait.ge [sflag:s28], $0x800  }
0x11: {  	[sflag:s28] =	ssyncset.done $0x0  }
0x12: {  	[sflag:s28] =	ssyncadd.s32 $0xFFFFF800  }
0x13: {  	_ =	swait.ge [sflag:s29], $0x800  }
0x14: {  	[sflag:s29] =	ssyncset.done $0x0  }
0x15: {  	s0 =	sadd.s32 $0x1, s0;
	[sflag:s29] =	ssyncadd.s32 $0xFFFFF800  }
0x16: {  	p0 =	sne.s32 s0, s11;
	_ =	swait.ge [sflag:s30], $0x800  }
.Ltmp1:
0x17: {  	[sflag:s30] =	ssyncset.done $0x0;
	(pc) =	sbr.rel @!p0 .LBB2_15-.Ltmp1, $4  }
0x18: {  	[sflag:s30] =	ssyncadd.s32 $0xFFFFF800  }
0x19: {  	_ =	swait.ge [sflag:s31], $0x800  }
0x1a: {  	[sflag:s31] =	ssyncset.done $0x0  }
0x1b: {  	[sflag:s31] =	ssyncadd.s32 $0xFFFFF800  }
.LBB2_1:
0x1c: {  	[tilespmem:s14], [sflag:$0x1] =	stream.strided.gather [hbm4b:s7+s12], $0x2000, s13, s12, $0x38;
	[tilespmem:$0xB800] =	vst v63  }
0x1d: {  	s1 =	rddreg [dreg:$0x4];
	s2 =	simm.s32 $0x3800  }
0x1e: {  	[tilespmem:s2], [sflag:$0x2] =	stream.strided.gather [hbm4b:s1+s12], $0x2000, s13, s12, $0x38;
	[tilespmem:$0xB800] =	vst v63  }
0x1f: {  	s5 =	simm.s32 $0x5800;
	s2 =	rddreg [dreg:$0x5]  }
0x20: {  	[tilespmem:s5], [sflag:$0x3] =	stream.strided.gather [hbm4b:s2+s12], $0x2000, s13, s12, $0x38;
	[tilespmem:$0xB800] =	vst v63  }
0x21: {  	s8 =	rddreg [dreg:$0x6]  }
0x22: {  	[tilespmem:s17], [sflag:$0x4] =	stream.strided.gather [hbm4b:s8+s12], $0x2000, s13, s12, $0x38;
	[tilespmem:$0xB800] =	vst v63  }
0x23: {  	s9 =	rddreg [dreg:$0x0];
	s10 =	simm.s32 $0x0  }
0x24: {  	[tilespmem:s10], [sflag:$0x9] =	stream.linear.gather [hbm4b:s9+s10], $0x800, $0x38;
	[tilespmem:$0xB800] =	vst v63  }
0x25: {  	_ =	swait.ge [sflag:s18], $0x800  }
0x26: {  	[sflag:s18] =	ssyncset.done $0x0  }
0x27: {  	s15 =	simm.s32 $0x20;
	[sflag:s18] =	ssyncadd.s32 $0xFFFFF800  }
0x28: {  	v0 =	vld [tilespmem:s15+$0x10]  }
0x29: {  	v2 =	vld [tilespmem:s15+$0x0]  }
0x2a: {  	v1 =	vld [tilespmem:s15+$0xFFFFFFE0];
	_ =	sdelay $0x1  }
0x2b: {  	v3 =	vld [tilespmem:s15+$0xFFFFFFF0];
	_ =	sdelay $0x1  }
0x2c: {  	v4 =	vmul.f32 $8.191000000e+03, v0;
	v6 =	vmul.f32 $8.191000000e+03, v2  }
0x2d: {  	s16 =	simm.s32 $0x60;
	v5 =	vmul.f32 $8.191000000e+03, v1  }
0x2e: {  	v8 =	vld [tilespmem:s16+$0x10];
	v0 =	vtrunc.f32 v4;
	v7 =	vtrunc.f32 v6  }
0x2f: {  	v2 =	vld [tilespmem:s16+$0xFFFFFFF0];
	v1 =	vcvt.f32.s32 v0;
	v0 =	vmul.f32 $8.191000000e+03, v3  }
0x30: {  	v3 =	vtrunc.f32 v5;
	v7 =	vcvt.f32.s32 v7  }
0x31: {  	v3 =	vcvt.f32.s32 v3;
	vm0 =	vgt.s32 v1, $0x0;
	v9 =	vtrunc.f32 v0  }
0x32: {  	vm14 =	vgt.s32 v7, $0x0;
	v1 =	vnsel vm0, $0x0, v1;
	v9 =	vcvt.f32.s32 v9  }
0x33: {  	v10 =	vld [tilespmem:s16+$0xFFFFFFE0];
	vm13 =	vgt.s32 v3, $0x0;
	v7 =	vnsel vm14, $0x0, v7;
	v11 =	vmin.u32 v1, $0x1FFE  }
0x34: {  	v12 =	vld [tilespmem:s16+$0x0];
	v3 =	vnsel vm13, $0x0, v3;
	v1 =	vmul.f32 $8.191000000e+03, v2;
	v2 =	vmul.f32 $8.191000000e+03, v8  }
0x35: {  	s1 =	simm.s32 $0x820;
	v7 =	vmin.u32 v7, $0x1FFE;
	v13 =	vcvt.s32.f32 v11;
	v3 =	vmin.u32 v3, $0x1FFE  }
0x36: {  	[tilespmem:s1+$0x10] =	vst v11;
	v14 =	vcvt.s32.f32 v7;
	v8 =	vcvt.s32.f32 v3  }
0x37: {  	[tilespmem:s1+$0x0] =	vst v7;
	vm15 =	vgt.s32 v9, $0x0;
	v11 =	vtrunc.f32 v1;
	v13 =	vsub.f32 v4, v13  }
0x38: {  	s2 =	simm.s32 $0x1020;
	[tilespmem:s1+$0xFFFFFFE0] =	vst v3;
	v3 =	vmul.f32 $8.191000000e+03, v10;
	v10 =	vtrunc.f32 v2;
	v8 =	vsub.f32 v5, v8  }
0x39: {  	s5 =	simm.s32 $0x1020;
	v4 =	vmul.f32 $8.191000000e+03, v12;
	v7 =	vsub.f32 v6, v14;
	v5 =	vcvt.f32.s32 v11;
	[tilespmem:s2+$0x10] =	vst v13  }
0x3a: {  	s8 =	simm.s32 $0x820;
	s9 =	simm.s32 $0x4;
	s10 =	simm.s32 $0xA0;
	v6 =	vcvt.f32.s32 v10;
	[tilespmem:s2+$0xFFFFFFE0] =	vst v8;
	v8 =	vnsel vm15, $0x0, v9  }
.LBB2_2:
0x3b: {  	v9 =	vld [tilespmem:s10+$0xFFFFFFF0];
	s9 =	sadd.s32 $0x4, s9;
	v10 =	vtrunc.f32 v3;
	v11 =	vtrunc.f32 v4;
	v8 =	vmin.u32 v8, $0x1FFE;
	[tilespmem:s2+$0x0] =	vst v7;
	s5 =	sadd.s32 $0x40, s5;
	s1 =	sadd.s32 $0x40, s1;
	v12 =	vmovc v5  }
0x3c: {  	v5 =	vld [tilespmem:s10+$0x10];
	p0 =	slt.u32 s9, $0x7C;
	v7 =	vcvt.f32.s32 v10;
	vm1 =	vgt.s32 v6, $0x0;
	v10 =	vcvt.s32.f32 v8;
	[tilespmem:s8+$0xFFFFFFF0] =	vst v8;
	s8 =	smov.u32 s1  }
0x3d: {  	vm0 =	vgt.s32 v12, $0x0;
	v11 =	vcvt.f32.s32 v11;
	v8 =	vld [tilespmem:s10+$0xFFFFFFE0];
	v6 =	vnsel vm1, $0x0, v6  }
0x3e: {  	v13 =	vld [tilespmem:s10+$0x0];
	vm1 =	vgt.s32 v7, $0x0;
	v6 =	vmin.u32 v6, $0x1FFE;
	v10 =	vsub.f32 v0, v10;
	v0 =	vmovc v1  }
0x3f: {  	v7 =	vnsel vm1, $0x0, v7;
	vm1 =	vgt.s32 v11, $0x0;
	v14 =	vcvt.s32.f32 v6;
	[tilespmem:s1+$0x10] =	vst v6  }
0x40: {  	v1 =	vmul.f32 $8.191000000e+03, v9;
	v6 =	vmin.u32 v7, $0x1FFE;
	v7 =	vnsel vm1, $0x0, v11;
	[tilespmem:s2+$0xFFFFFFF0] =	vst v10;
	s2 =	smov.u32 s5  }
.Ltmp2:
0x41: {  	v5 =	vmul.f32 $8.191000000e+03, v5;
	v9 =	vcvt.s32.f32 v6;
	[tilespmem:s1+$0xFFFFFFE0] =	vst v6;
	v6 =	vmin.u32 v7, $0x1FFE;
	(pc) =	sbr.rel @p0 .LBB2_2-.Ltmp2, $4  }
0x42: {  	v7 =	vtrunc.f32 v1;
	v10 =	vcvt.s32.f32 v6;
	[tilespmem:s1+$0x0] =	vst v6;
	v6 =	vsub.f32 v2, v14  }
0x43: {  	v11 =	vtrunc.f32 v5;
	v9 =	vsub.f32 v3, v9;
	v3 =	vmul.f32 $8.191000000e+03, v8;
	v2 =	vmovc v5  }
0x44: {  	v5 =	vcvt.f32.s32 v7;
	v7 =	vsub.f32 v4, v10;
	v4 =	vmul.f32 $8.191000000e+03, v13;
	[tilespmem:s5+$0x10] =	vst v6  }
0x45: {  	s10 =	sadd.s32 $0x40, s10;
	v8 =	vnsel vm0, $0x0, v12;
	v6 =	vcvt.f32.s32 v11;
	[tilespmem:s5+$0xFFFFFFE0] =	vst v9  }
0x46: {  	v9 =	vtrunc.f32 v3;
	v10 =	vtrunc.f32 v4  }
0x47: {  	v8 =	vmin.u32 v8, $0x1FFE;
	vm15 =	vgt.s32 v5, $0x0;
	v9 =	vcvt.f32.s32 v9  }
0x48: {  	[tilespmem:s2+$0x0] =	vst v7;
	vm0 =	vgt.s32 v6, $0x0;
	v11 =	vcvt.s32.f32 v8;
	v5 =	vnsel vm15, $0x0, v5  }
0x49: {  	s1 =	sadd.s32 $0x40, s1;
	v10 =	vcvt.f32.s32 v10;
	[tilespmem:s8+$0xFFFFFFF0] =	vst v8;
	v6 =	vnsel vm0, $0x0, v6;
	v60 =	vmin.u32 v5, $0x1FFE  }
0x4a: {  	vm13 =	vgt.s32 v9, $0x0;
	v6 =	vmin.u32 v6, $0x1FFE;
	v0 =	vsub.f32 v0, v11;
	[tilespmem:s1+$0xFFFFFFF0] =	vst v60  }
0x4b: {  	vm14 =	vgt.s32 v10, $0x0;
	v62 =	vcvt.s32.f32 v60;
	v54 =	vnsel vm13, $0x0, v9;
	[tilespmem:s1+$0x10] =	vst v6  }
0x4c: {  	v55 =	vcvt.s32.f32 v6;
	v57 =	vnsel vm14, $0x0, v10;
	v56 =	vmin.u32 v54, $0x1FFE;
	[tilespmem:s2+$0xFFFFFFF0] =	vst v0  }
0x4d: {  	v7 =	vmin.u32 v57, $0x1FFE;
	v63 =	vsub.f32 v1, v62;
	v58 =	vcvt.s32.f32 v56;
	[tilespmem:s1+$0xFFFFFFE0] =	vst v56  }
0x4e: {  	s16 =	sadd.s32 $0x40, s5;
	v59 =	vcvt.s32.f32 v7;
	v2 =	vsub.f32 v2, v55;
	[tilespmem:s1+$0x0] =	vst v7  }
0x4f: {  	[tilespmem:s16+$0xFFFFFFF0] =	vst v63;
	v0 =	vsub.f32 v3, v58  }
0x50: {  	v61 =	vsub.f32 v4, v59;
	[tilespmem:s16+$0x10] =	vst v2  }
0x51: {  	[tilespmem:s16+$0xFFFFFFE0] =	vst v0  }
0x52: {  	s1 =	simm.s32 $0x0;
	[tilespmem:s16+$0x0] =	vst v61  }
.LBB2_4:
0x53: {  	_ =	swait.ge [sflag:s19], $0x2000  }
0x54: {  	p1 =	seq.s32 s1, $0x0;
	[sflag:s19] =	ssyncset.done $0x0  }
0x55: {  	s2 =	simm.s32 @!p1 $0x5;
	[sflag:s19] =	ssyncadd.s32 $0xFFFFE000  }
0x56: {  	_ =	swait.ge @!p1 [sflag:s2], $0x800  }
0x57: {  	[sflag:s2] =	ssyncset.done @!p1 $0x0  }
0x58: {  	s16 =	simm.s32 $0x840;
	[sflag:s2] =	ssyncadd.s32 @!p1 $0xFFFFF800  }
0x59: {  	v0 =	vld [tilespmem:s16+$0x30]  }
0x5a: {  	v1 =	vld [tilespmem:s16+$0xFFFFFFD0]  }
0x5b: {  	v3 =	vld [tilespmem:s16+$0xFFFFFFF0]  }
0x5c: {  	v2 =	vld [tilespmem:s16+$0xFFFFFFE0]  }
0x5d: {  	v7 =	vld [tilespmem:s16+$0x0]  }
0x5e: {  	v10 =	vld [tilespmem:s16+$0x20]  }
0x5f: {  	v8 =	vld [tilespmem:s16+$0x10];
	v4 =	vadd.s32 $0x1, v0  }
0x60: {  	s5 =	simm.s32 $0x1040;
	v6 =	vld [tilespmem:s16+$0xFFFFFFC0];
	v5 =	vadd.s32 $0x1, v1  }
0x61: {  	v16 =	vld [tilespmem:s5+$0x30];
	v9 =	vadd.s32 $0x1, v2  }
0x62: {  	v11 =	vadd.s32 $0x1, v3;
	v12 =	vld.idx.msk [tilespmem:v0+s14+$0x0], $0xffff  }
0x63: {  	v15 =	vadd.s32 $0x1, v10;
	v3 =	vld.idx.msk [tilespmem:v3+s14+$0x0], $0xffff  }
0x64: {  	v13 =	vld.idx.msk [tilespmem:v4+s14+$0x0], $0xffff  }
0x65: {  	v0 =	vadd.s32 $0x1, v7;
	v14 =	vld.idx.msk [tilespmem:v5+s14+$0x0], $0xffff  }
0x66: {  	v9 =	vld.idx.msk [tilespmem:v9+s14+$0x0], $0xffff  }
0x67: {  	v4 =	vadd.s32 $0x1, v8;
	v18 =	vld.idx.msk [tilespmem:v11+s14+$0x0], $0xffff  }
0x68: {  	v5 =	vadd.s32 $0x1, v6;
	v21 =	vld.idx.msk [tilespmem:v15+s14+$0x0], $0xffff  }
0x69: {  	v6 =	vld.idx.msk [tilespmem:v6+s14+$0x0], $0xffff  }
0x6a: {  	v19 =	vld.idx.msk [tilespmem:v0+s14+$0x0], $0xffff  }
0x6b: {  	v0 =	vld.idx.msk [tilespmem:v10+s14+$0x0], $0xffff  }
0x6c: {  	v20 =	vld.idx.msk [tilespmem:v4+s14+$0x0], $0xffff  }
0x6d: {  	v11 =	vld.idx.msk [tilespmem:v5+s14+$0x0], $0xffff  }
0x6e: {  	v5 =	vld.idx.msk [tilespmem:v1+s14+$0x0], $0xffff  }
0x6f: {  	v4 =	vld.idx.msk [tilespmem:v2+s14+$0x0], $0xffff  }
0x70: {  	v2 =	vld.idx.msk [tilespmem:v7+s14+$0x0], $0xffff;
	v7 =	vsub.f32 v13, v12  }
0x71: {  	v1 =	vld.idx.msk [tilespmem:v8+s14+$0x0], $0xffff  }
0x72: {  	v7 =	vmul.f32 v7, v16;
	v16 =	vld [tilespmem:s5+$0xFFFFFFC0]  }
0x73: {  	v13 =	vld [tilespmem:s5+$0xFFFFFFD0]  }
0x74: {  	v10 =	vld [tilespmem:s5+$0xFFFFFFE0];
	v15 =	vsub.f32 v18, v3;
	v7 =	vadd.f32 v7, v12  }
0x75: {  	s9 =	sshll.u32 s1, $0x6;
	v12 =	vld [tilespmem:s5+$0xFFFFFFF0];
	v22 =	vsub.f32 v11, v6;
	v17 =	vsub.f32 v14, v5  }
0x76: {  	s8 =	simm.s32 $0x9840;
	s10 =	simm.s32 $0x8C0;
	s2 =	sshll.u32 s1, $0x2;
	v11 =	vsub.f32 v9, v4;
	v8 =	vsub.f32 v19, v2;
	v14 =	vld [tilespmem:s5+$0x0]  }
0x77: {  	s15 =	sor.u32 s6, s2;
	s16 =	sand.u32 $0x40, s9;
	s9 =	simm.s32 $0x0;
	v9 =	vsub.f32 v20, v1;
	[tilespmem:s8+$0x30] =	vst v7;
	v7 =	vsub.f32 v21, v0;
	v18 =	vmul.f32 v22, v16;
	v16 =	vld [tilespmem:s5+$0x10]  }
.LBB2_5:
0x78: {  	v19 =	vld [tilespmem:s10+$0x30];
	s9 =	sadd.s32 $0x8, s9;
	v13 =	vmul.f32 v17, v13  }
0x79: {  	v17 =	vld [tilespmem:s10+$0xFFFFFFD0];
	p0 =	slt.u32 s9, $0x78;
	v6 =	vadd.f32 v18, v6;
	v10 =	vmul.f32 v11, v10  }
0x7a: {  	v11 =	vld [tilespmem:s10+$0xFFFFFFE0];
	v5 =	vadd.f32 v13, v5;
	v12 =	vmul.f32 v15, v12  }
0x7b: {  	v13 =	vld [tilespmem:s10+$0xFFFFFFF0];
	[tilespmem:s8+$0xFFFFFFC0] =	vst v6;
	v4 =	vadd.f32 v10, v4;
	v6 =	vmul.f32 v8, v14  }
0x7c: {  	v8 =	vld [tilespmem:s10+$0x0];
	[tilespmem:s8+$0xFFFFFFD0] =	vst v5;
	v3 =	vadd.f32 v12, v3;
	v5 =	vmul.f32 v9, v16  }
0x7d: {  	v9 =	vld [tilespmem:s10+$0x10];
	v10 =	vadd.s32 $0x1, v19;
	[tilespmem:s8+$0xFFFFFFE0] =	vst v4;
	v2 =	vadd.f32 v6, v2  }
0x7e: {  	v4 =	vadd.s32 $0x1, v17;
	v12 =	vld [tilespmem:s10+$0x20];
	[tilespmem:s8+$0xFFFFFFF0] =	vst v3;
	v1 =	vadd.f32 v5, v1  }
0x7f: {  	v3 =	vld [tilespmem:s10+$0xFFFFFFC0];
	v5 =	vadd.s32 $0x1, v11;
	[tilespmem:s8+$0x0] =	vst v2  }
0x80: {  	v2 =	vadd.s32 $0x1, v13;
	[tilespmem:s8+$0x10] =	vst v1;
	v1 =	vld [tilespmem:s5+$0x20]  }
0x81: {  	v6 =	vadd.s32 $0x1, v8;
	v14 =	vld.idx.msk [tilespmem:v19+s14+$0x0], $0xffff  }
0x82: {  	v15 =	vadd.s32 $0x1, v9;
	v10 =	vld.idx.msk [tilespmem:v10+s14+$0x0], $0xffff  }
0x83: {  	v16 =	vld.idx.msk [tilespmem:v4+s14+$0x0], $0xffff;
	v4 =	vadd.s32 $0x1, v12  }
0x84: {  	s5 =	sadd.s32 $0x80, s5;
	v18 =	vadd.s32 $0x1, v3;
	v19 =	vld.idx.msk [tilespmem:v5+s14+$0x0], $0xffff  }
0x85: {  	v5 =	vld [tilespmem:s5+$0x30];
	v1 =	vmul.f32 v7, v1  }
0x86: {  	v7 =	vld.idx.msk [tilespmem:v2+s14+$0x0], $0xffff  }
0x87: {  	v20 =	vld.idx.msk [tilespmem:v6+s14+$0x0], $0xffff;
	v0 =	vadd.f32 v1, v0  }
0x88: {  	v1 =	vsub.f32 v10, v14;
	v21 =	vld.idx.msk [tilespmem:v15+s14+$0x0], $0xffff  }
0x89: {  	v10 =	vld.idx.msk [tilespmem:v18+s14+$0x0], $0xffff;
	[tilespmem:s8+$0x20] =	vst v0  }
0x8a: {  	v22 =	vld.idx.msk [tilespmem:v4+s14+$0x0], $0xffff;
	v0 =	vmul.f32 v1, v5  }
0x8b: {  	v6 =	vld.idx.msk [tilespmem:v3+s14+$0x0], $0xffff  }
0x8c: {  	v5 =	vld.idx.msk [tilespmem:v17+s14+$0x0], $0xffff;
	v0 =	vadd.f32 v0, v14  }
0x8d: {  	s8 =	sadd.s32 $0x80, s8;
	v4 =	vld.idx.msk [tilespmem:v11+s14+$0x0], $0xffff  }
0x8e: {  	v3 =	vld.idx.msk [tilespmem:v13+s14+$0x0], $0xffff;
	[tilespmem:s8+$0x30] =	vst v0  }
0x8f: {  	v2 =	vld.idx.msk [tilespmem:v8+s14+$0x0], $0xffff  }
0x90: {  	v1 =	vld.idx.msk [tilespmem:v9+s14+$0x0], $0xffff  }
0x91: {  	v18 =	vsub.f32 v10, v6;
	v0 =	vld.idx.msk [tilespmem:v12+s14+$0x0], $0xffff  }
0x92: {  	v17 =	vsub.f32 v16, v5;
	v23 =	vld [tilespmem:s5+$0xFFFFFFC0]  }
.Ltmp3:
0x93: {  	v11 =	vsub.f32 v19, v4;
	v13 =	vld [tilespmem:s5+$0xFFFFFFD0];
	(pc) =	sbr.rel @p0 .LBB2_5-.Ltmp3, $4  }
0x94: {  	v15 =	vsub.f32 v7, v3;
	v10 =	vld [tilespmem:s5+$0xFFFFFFE0]  }
0x95: {  	v8 =	vsub.f32 v20, v2;
	v12 =	vld [tilespmem:s5+$0xFFFFFFF0]  }
0x96: {  	v9 =	vsub.f32 v21, v1;
	v14 =	vld [tilespmem:s5+$0x0]  }
0x97: {  	s10 =	sadd.s32 $0x80, s10;
	v7 =	vsub.f32 v22, v0;
	v18 =	vmul.f32 v18, v23;
	v16 =	vld [tilespmem:s5+$0x10]  }
0x98: {  	v13 =	vmul.f32 v17, v13;
	v17 =	vld [tilespmem:s5+$0x20]  }
0x99: {  	v6 =	vadd.f32 v18, v6;
	v10 =	vmul.f32 v11, v10  }
0x9a: {  	v5 =	vadd.f32 v13, v5;
	v11 =	vmul.f32 v15, v12  }
0x9b: {  	[tilespmem:s8+$0xFFFFFFC0] =	vst v6;
	v4 =	vadd.f32 v10, v4;
	v6 =	vmul.f32 v8, v14  }
0x9c: {  	[tilespmem:s8+$0xFFFFFFD0] =	vst v5;
	v3 =	vadd.f32 v11, v3;
	v5 =	vmul.f32 v9, v16  }
0x9d: {  	[tilespmem:s8+$0xFFFFFFE0] =	vst v4;
	v2 =	vadd.f32 v6, v2;
	v4 =	vmul.f32 v7, v17  }
0x9e: {  	[tilespmem:s8+$0xFFFFFFF0] =	vst v3;
	v1 =	vadd.f32 v5, v1  }
0x9f: {  	s10 =	sshll.u32 s15, $0x8;
	[tilespmem:s8+$0x0] =	vst v2;
	v0 =	vadd.f32 v4, v0  }
0xa0: {  	s9 =	sadd.s32 s4, s16;
	s5 =	sand.u32 $0x7F800, s10;
	[tilespmem:s8+$0x10] =	vst v1  }
0xa1: {  	p0 =	seq.s32 s1, $0xF;
	s5 =	sadd.s32 s5, s9;
	[tilespmem:s8+$0x20] =	vst v0  }
0xa2: {  	[hbm4b:s5+s12] =	stream.strided.scatter [tilespmem:s20], [sflag:$0x5], $0x800, s13, s12, $0x38;
	[tilespmem:$0xB800] =	vst v63  }
0xa3: {  	s5 =	sadd.s32 @!p0 $0x4, s15  }
0xa4: {  	s8 =	sshll.u32 @!p0 s5, $0x4  }
0xa5: {  	s5 =	sshll.u32 @!p0 s5, $0xA;
	s8 =	sand.u32 @!p0 $0x40, s8  }
0xa6: {  	s10 =	simm.s32 @!p0 $0x1800;
	s5 =	sand.u32 @!p0 $0xFFFE000, s5;
	s8 =	sadd.s32 @!p0 s3, s8  }
0xa7: {  	s9 =	simm.s32 @!p0 $0x400;
	s5 =	sadd.s32 @!p0 s5, s8;
	s8 =	simm.s32 @!p0 $0x80  }
0xa8: {  	[tilespmem:s10], [sflag:$0x1] =	stream.strided.gather @!p0 [hbm4b:s5+s8], $0x2000, s9, s8, $0x38;
	[tilespmem:$0xB800] =	vst v63  }
0xa9: {  	_ =	swait.ge [sflag:s21], $0x2000  }
0xaa: {  	[sflag:s21] =	ssyncset.done $0x0  }
0xab: {  	s5 =	simm.s32 @!p1 $0x6;
	[sflag:s21] =	ssyncadd.s32 $0xFFFFE000  }
0xac: {  	_ =	swait.ge @!p1 [sflag:s5], $0x800  }
0xad: {  	[sflag:s5] =	ssyncset.done @!p1 $0x0  }
0xae: {  	s8 =	simm.s32 $0x840;
	[sflag:s5] =	ssyncadd.s32 @!p1 $0xFFFFF800  }
0xaf: {  	v0 =	vld [tilespmem:s8+$0x30];
	_ =	sdelay $0x1  }
0xb0: {  	v1 =	vld [tilespmem:s8+$0xFFFFFFD0]  }
0xb1: {  	v2 =	vld [tilespmem:s8+$0xFFFFFFE0]  }
0xb2: {  	v3 =	vld [tilespmem:s8+$0xFFFFFFF0]  }
0xb3: {  	v5 =	vld [tilespmem:s8+$0x0];
	v4 =	vadd.s32 $0x2000, v0  }
0xb4: {  	v7 =	vld [tilespmem:s8+$0xFFFFFFC0];
	v0 =	vadd.s32 $0x2001, v0  }
0xb5: {  	v8 =	vld [tilespmem:s8+$0x10];
	v6 =	vadd.s32 $0x2000, v1  }
0xb6: {  	s15 =	simm.s32 $0x1040;
	v9 =	vld [tilespmem:s8+$0x20];
	v1 =	vadd.s32 $0x2001, v1  }
0xb7: {  	v14 =	vld [tilespmem:s15+$0x30];
	v10 =	vadd.s32 $0x2000, v2  }
0xb8: {  	v15 =	vadd.s32 $0x2001, v3;
	v11 =	vld.idx.msk [tilespmem:v4+s14+$0x0], $0xffff  }
0xb9: {  	v17 =	vadd.s32 $0x2001, v5;
	v12 =	vld.idx.msk [tilespmem:v0+s14+$0x0], $0xffff  }
0xba: {  	v4 =	vadd.s32 $0x2001, v2;
	v2 =	vld.idx.msk [tilespmem:v6+s14+$0x0], $0xffff  }
0xbb: {  	v0 =	vadd.s32 $0x2000, v7;
	v13 =	vld.idx.msk [tilespmem:v1+s14+$0x0], $0xffff  }
0xbc: {  	v1 =	vadd.s32 $0x2000, v3;
	v3 =	vld.idx.msk [tilespmem:v10+s14+$0x0], $0xffff  }
0xbd: {  	v15 =	vld.idx.msk [tilespmem:v15+s14+$0x0], $0xffff  }
0xbe: {  	v7 =	vadd.s32 $0x2001, v7;
	v19 =	vld.idx.msk [tilespmem:v17+s14+$0x0], $0xffff  }
0xbf: {  	v10 =	vadd.s32 $0x2000, v5;
	v17 =	vld [tilespmem:s15+$0xFFFFFFC0]  }
0xc0: {  	v6 =	vld.idx.msk [tilespmem:v0+s14+$0x0], $0xffff;
	v0 =	vadd.s32 $0x2000, v8  }
0xc1: {  	v16 =	vld.idx.msk [tilespmem:v4+s14+$0x0], $0xffff;
	v8 =	vadd.s32 $0x2001, v8  }
0xc2: {  	v5 =	vld.idx.msk [tilespmem:v1+s14+$0x0], $0xffff;
	v1 =	vadd.s32 $0x2000, v9  }
0xc3: {  	v7 =	vld.idx.msk [tilespmem:v7+s14+$0x0], $0xffff;
	v9 =	vadd.s32 $0x2001, v9  }
0xc4: {  	v4 =	vld.idx.msk [tilespmem:v10+s14+$0x0], $0xffff  }
0xc5: {  	v0 =	vld.idx.msk [tilespmem:v0+s14+$0x0], $0xffff  }
0xc6: {  	v20 =	vld.idx.msk [tilespmem:v8+s14+$0x0], $0xffff;
	v8 =	vsub.f32 v12, v11  }
0xc7: {  	v1 =	vld.idx.msk [tilespmem:v1+s14+$0x0], $0xffff  }
0xc8: {  	v10 =	vld.idx.msk [tilespmem:v9+s14+$0x0], $0xffff;
	v9 =	vmul.f32 v8, v14  }
0xc9: {  	v18 =	vsub.f32 v7, v6;
	v14 =	vld [tilespmem:s15+$0xFFFFFFD0]  }
0xca: {  	s9 =	sor.u32 $0x1, s2;
	v8 =	vsub.f32 v13, v2;
	v13 =	vld [tilespmem:s15+$0xFFFFFFE0];
	v12 =	vadd.f32 v9, v11  }
0xcb: {  	s16 =	sor.u32 s6, s9;
	s10 =	sshll.u32 s9, $0x4;
	s5 =	simm.s32 $0xA070;
	v9 =	vsub.f32 v16, v3;
	v11 =	vsub.f32 v15, v5;
	v15 =	vld [tilespmem:s15+$0xFFFFFFF0]  }
0xcc: {  	s9 =	simm.s32 $0x0;
	s8 =	sand.u32 $0x50, s10;
	s10 =	simm.s32 $0x8C0;
	v16 =	vld [tilespmem:s15+$0x0];
	v7 =	vsub.f32 v20, v0;
	[tilespmem:s5+$0x0] =	vst v12;
	v12 =	vsub.f32 v19, v4  }
.LBB2_7:
0xcd: {  	v19 =	vld [tilespmem:s10+$0x30];
	v17 =	vmul.f32 v18, v17;
	v10 =	vsub.f32 v10, v1  }
0xce: {  	s9 =	sadd.s32 $0x8, s9;
	v18 =	vld [tilespmem:s10+$0xFFFFFFD0];
	v8 =	vmul.f32 v8, v14  }
0xcf: {  	p2 =	slt.u32 s9, $0x78;
	v14 =	vld [tilespmem:s10+$0xFFFFFFE0];
	v6 =	vadd.f32 v17, v6;
	v9 =	vmul.f32 v9, v13  }
0xd0: {  	v13 =	vld [tilespmem:s10+$0xFFFFFFF0];
	v2 =	vadd.f32 v8, v2;
	v8 =	vmul.f32 v11, v15  }
0xd1: {  	v11 =	vld [tilespmem:s10+$0x0];
	[tilespmem:s5+$0xFFFFFF90] =	vst v6;
	v3 =	vadd.f32 v9, v3;
	v6 =	vmul.f32 v12, v16  }
0xd2: {  	v9 =	vld [tilespmem:s10+$0x10];
	v12 =	vadd.s32 $0x2000, v19;
	[tilespmem:s5+$0xFFFFFFA0] =	vst v2;
	v2 =	vadd.f32 v8, v5  }
0xd3: {  	v16 =	vadd.s32 $0x2001, v19;
	v5 =	vadd.s32 $0x2000, v18;
	v8 =	vadd.s32 $0x2001, v18;
	v15 =	vld [tilespmem:s10+$0x20];
	[tilespmem:s5+$0xFFFFFFB0] =	vst v3  }
0xd4: {  	v3 =	vld [tilespmem:s10+$0xFFFFFFC0];
	v17 =	vadd.s32 $0x2000, v14;
	v14 =	vadd.s32 $0x2001, v14;
	[tilespmem:s5+$0xFFFFFFC0] =	vst v2;
	v2 =	vadd.f32 v6, v4  }
0xd5: {  	v4 =	vadd.s32 $0x2000, v13;
	v13 =	vadd.s32 $0x2001, v13;
	v6 =	vld [tilespmem:s15+$0x10]  }
0xd6: {  	v18 =	vadd.s32 $0x2000, v11;
	v11 =	vadd.s32 $0x2001, v11;
	[tilespmem:s5+$0xFFFFFFD0] =	vst v2;
	v19 =	vld [tilespmem:s15+$0x20]  }
0xd7: {  	v20 =	vadd.s32 $0x2000, v9;
	v21 =	vadd.s32 $0x2001, v9;
	v9 =	vld.idx.msk [tilespmem:v12+s14+$0x0], $0xffff  }
0xd8: {  	v12 =	vadd.s32 $0x2000, v15;
	v15 =	vadd.s32 $0x2001, v15;
	v16 =	vld.idx.msk [tilespmem:v16+s14+$0x0], $0xffff  }
0xd9: {  	v22 =	vadd.s32 $0x2000, v3;
	v23 =	vadd.s32 $0x2001, v3;
	v2 =	vld.idx.msk [tilespmem:v5+s14+$0x0], $0xffff  }
0xda: {  	s15 =	sadd.s32 $0x80, s15;
	v5 =	vld.idx.msk [tilespmem:v8+s14+$0x0], $0xffff;
	v6 =	vmul.f32 v7, v6  }
0xdb: {  	v7 =	vld [tilespmem:s15+$0x30];
	v8 =	vmul.f32 v10, v19  }
0xdc: {  	v3 =	vld.idx.msk [tilespmem:v17+s14+$0x0], $0xffff;
	v0 =	vadd.f32 v6, v0  }
0xdd: {  	v10 =	vld.idx.msk [tilespmem:v14+s14+$0x0], $0xffff;
	v1 =	vadd.f32 v8, v1  }
0xde: {  	v14 =	vsub.f32 v16, v9;
	v6 =	vld.idx.msk [tilespmem:v22+s14+$0x0], $0xffff;
	[tilespmem:s5+$0xFFFFFFE0] =	vst v0  }
0xdf: {  	v16 =	vld.idx.msk [tilespmem:v23+s14+$0x0], $0xffff;
	[tilespmem:s5+$0xFFFFFFF0] =	vst v1  }
0xe0: {  	v8 =	vsub.f32 v5, v2;
	v5 =	vld.idx.msk [tilespmem:v4+s14+$0x0], $0xffff;
	v0 =	vmul.f32 v14, v7  }
0xe1: {  	v7 =	vld.idx.msk [tilespmem:v13+s14+$0x0], $0xffff  }
0xe2: {  	v4 =	vld.idx.msk [tilespmem:v18+s14+$0x0], $0xffff;
	v1 =	vadd.f32 v0, v9  }
0xe3: {  	s5 =	sadd.s32 $0x80, s5;
	v9 =	vsub.f32 v10, v3;
	v13 =	vld.idx.msk [tilespmem:v11+s14+$0x0], $0xffff  }
0xe4: {  	v0 =	vld.idx.msk [tilespmem:v20+s14+$0x0], $0xffff;
	[tilespmem:s5+$0x0] =	vst v1  }
0xe5: {  	v18 =	vsub.f32 v16, v6;
	v16 =	vld.idx.msk [tilespmem:v21+s14+$0x0], $0xffff  }
0xe6: {  	v1 =	vld.idx.msk [tilespmem:v12+s14+$0x0], $0xffff  }
0xe7: {  	v11 =	vsub.f32 v7, v5;
	v10 =	vld.idx.msk [tilespmem:v15+s14+$0x0], $0xffff  }
.Ltmp4:
0xe8: {  	v17 =	vld [tilespmem:s15+$0xFFFFFFC0];
	(pc) =	sbr.rel @p2 .LBB2_7-.Ltmp4, $4  }
0xe9: {  	v12 =	vsub.f32 v13, v4;
	v14 =	vld [tilespmem:s15+$0xFFFFFFD0]  }
0xea: {  	v13 =	vld [tilespmem:s15+$0xFFFFFFE0]  }
0xeb: {  	v7 =	vsub.f32 v16, v0;
	v15 =	vld [tilespmem:s15+$0xFFFFFFF0]  }
0xec: {  	s10 =	sadd.s32 $0x80, s10;
	v16 =	vld [tilespmem:s15+$0x0]  }
0xed: {  	v17 =	vmul.f32 v18, v17;
	v18 =	vld [tilespmem:s15+$0x10]  }
0xee: {  	v8 =	vmul.f32 v8, v14;
	v14 =	vld [tilespmem:s15+$0x20]  }
0xef: {  	v6 =	vadd.f32 v17, v6;
	v9 =	vmul.f32 v9, v13  }
0xf0: {  	v2 =	vadd.f32 v8, v2;
	v8 =	vmul.f32 v11, v15  }
0xf1: {  	v10 =	vsub.f32 v10, v1;
	[tilespmem:s5+$0xFFFFFF90] =	vst v6;
	v3 =	vadd.f32 v9, v3;
	v6 =	vmul.f32 v12, v16  }
0xf2: {  	[tilespmem:s5+$0xFFFFFFA0] =	vst v2;
	v2 =	vadd.f32 v8, v5;
	v5 =	vmul.f32 v7, v18  }
0xf3: {  	[tilespmem:s5+$0xFFFFFFB0] =	vst v3;
	v3 =	vadd.f32 v6, v4;
	v4 =	vmul.f32 v10, v14  }
0xf4: {  	[tilespmem:s5+$0xFFFFFFC0] =	vst v2;
	v0 =	vadd.f32 v5, v0  }
0xf5: {  	s9 =	sshll.u32 s16, $0x8;
	[tilespmem:s5+$0xFFFFFFD0] =	vst v3;
	v1 =	vadd.f32 v4, v1  }
0xf6: {  	s8 =	sadd.s32 s4, s8;
	s9 =	sand.u32 $0x7F800, s9;
	[tilespmem:s5+$0xFFFFFFE0] =	vst v0  }
0xf7: {  	s15 =	sadd.s32 s9, s8;
	[tilespmem:s5+$0xFFFFFFF0] =	vst v1;
	s5 =	sadd.s32 @!p0 $0x4, s16  }
0xf8: {  	[hbm4b:s15+s12] =	stream.strided.scatter [tilespmem:s22], [sflag:$0x6], $0x800, s13, s12, $0x38;
	[tilespmem:$0xB800] =	vst v63  }
0xf9: {  	s8 =	sshll.u32 @!p0 s5, $0x4  }
0xfa: {  	s5 =	sshll.u32 @!p0 s5, $0xA;
	s8 =	sand.u32 @!p0 $0x50, s8  }
0xfb: {  	s10 =	simm.s32 @!p0 $0x3800;
	s5 =	sand.u32 @!p0 $0xFFFE000, s5;
	s8 =	sadd.s32 @!p0 s3, s8  }
0xfc: {  	s9 =	simm.s32 @!p0 $0x400;
	s5 =	sadd.s32 @!p0 s5, s8;
	s8 =	simm.s32 @!p0 $0x80  }
0xfd: {  	[tilespmem:s10], [sflag:$0x2] =	stream.strided.gather @!p0 [hbm4b:s5+s8], $0x2000, s9, s8, $0x38;
	[tilespmem:$0xB800] =	vst v63  }
0xfe: {  	_ =	swait.ge [sflag:s23], $0x2000  }
0xff: {  	[sflag:s23] =	ssyncset.done $0x0  }
0x100: {  	s5 =	simm.s32 @!p1 $0x7;
	[sflag:s23] =	ssyncadd.s32 $0xFFFFE000  }
0x101: {  	_ =	swait.ge @!p1 [sflag:s5], $0x800  }
0x102: {  	[sflag:s5] =	ssyncset.done @!p1 $0x0  }
0x103: {  	s8 =	simm.s32 $0x840;
	[sflag:s5] =	ssyncadd.s32 @!p1 $0xFFFFF800  }
0x104: {  	v0 =	vld [tilespmem:s8+$0x30];
	_ =	sdelay $0x1  }
0x105: {  	v1 =	vld [tilespmem:s8+$0xFFFFFFD0]  }
0x106: {  	v2 =	vld [tilespmem:s8+$0xFFFFFFE0]  }
0x107: {  	v3 =	vld [tilespmem:s8+$0xFFFFFFF0]  }
0x108: {  	v5 =	vld [tilespmem:s8+$0x0];
	v4 =	vadd.s32 $0x4000, v0  }
0x109: {  	v7 =	vld [tilespmem:s8+$0xFFFFFFC0];
	v0 =	vadd.s32 $0x4001, v0  }
0x10a: {  	v8 =	vld [tilespmem:s8+$0x10];
	v6 =	vadd.s32 $0x4000, v1  }
0x10b: {  	s15 =	simm.s32 $0x1040;
	v9 =	vld [tilespmem:s8+$0x20];
	v1 =	vadd.s32 $0x4001, v1  }
0x10c: {  	v14 =	vld [tilespmem:s15+$0x30];
	v10 =	vadd.s32 $0x4000, v2  }
0x10d: {  	v15 =	vadd.s32 $0x4001, v3;
	v11 =	vld.idx.msk [tilespmem:v4+s14+$0x0], $0xffff  }
0x10e: {  	v17 =	vadd.s32 $0x4001, v5;
	v12 =	vld.idx.msk [tilespmem:v0+s14+$0x0], $0xffff  }
0x10f: {  	v4 =	vadd.s32 $0x4001, v2;
	v2 =	vld.idx.msk [tilespmem:v6+s14+$0x0], $0xffff  }
0x110: {  	v0 =	vadd.s32 $0x4000, v7;
	v13 =	vld.idx.msk [tilespmem:v1+s14+$0x0], $0xffff  }
0x111: {  	v1 =	vadd.s32 $0x4000, v3;
	v3 =	vld.idx.msk [tilespmem:v10+s14+$0x0], $0xffff  }
0x112: {  	v15 =	vld.idx.msk [tilespmem:v15+s14+$0x0], $0xffff  }
0x113: {  	v7 =	vadd.s32 $0x4001, v7;
	v19 =	vld.idx.msk [tilespmem:v17+s14+$0x0], $0xffff  }
0x114: {  	v10 =	vadd.s32 $0x4000, v5;
	v17 =	vld [tilespmem:s15+$0xFFFFFFC0]  }
0x115: {  	v6 =	vld.idx.msk [tilespmem:v0+s14+$0x0], $0xffff;
	v0 =	vadd.s32 $0x4000, v8  }
0x116: {  	v16 =	vld.idx.msk [tilespmem:v4+s14+$0x0], $0xffff;
	v8 =	vadd.s32 $0x4001, v8  }
0x117: {  	v5 =	vld.idx.msk [tilespmem:v1+s14+$0x0], $0xffff;
	v1 =	vadd.s32 $0x4000, v9  }
0x118: {  	v7 =	vld.idx.msk [tilespmem:v7+s14+$0x0], $0xffff;
	v9 =	vadd.s32 $0x4001, v9  }
0x119: {  	v4 =	vld.idx.msk [tilespmem:v10+s14+$0x0], $0xffff  }
0x11a: {  	v0 =	vld.idx.msk [tilespmem:v0+s14+$0x0], $0xffff  }
0x11b: {  	v20 =	vld.idx.msk [tilespmem:v8+s14+$0x0], $0xffff;
	v8 =	vsub.f32 v12, v11  }
0x11c: {  	v1 =	vld.idx.msk [tilespmem:v1+s14+$0x0], $0xffff  }
0x11d: {  	v10 =	vld.idx.msk [tilespmem:v9+s14+$0x0], $0xffff;
	v9 =	vmul.f32 v8, v14  }
0x11e: {  	v18 =	vsub.f32 v7, v6;
	v14 =	vld [tilespmem:s15+$0xFFFFFFD0]  }
0x11f: {  	s9 =	sor.u32 $0x2, s2;
	v8 =	vsub.f32 v13, v2;
	v13 =	vld [tilespmem:s15+$0xFFFFFFE0];
	v12 =	vadd.f32 v9, v11  }
0x120: {  	s16 =	sor.u32 s6, s9;
	s10 =	sshll.u32 s9, $0x4;
	s5 =	simm.s32 $0xA870;
	v9 =	vsub.f32 v16, v3;
	v11 =	vsub.f32 v15, v5;
	v15 =	vld [tilespmem:s15+$0xFFFFFFF0]  }
0x121: {  	s9 =	simm.s32 $0x0;
	s8 =	sand.u32 $0x60, s10;
	s10 =	simm.s32 $0x8C0;
	v16 =	vld [tilespmem:s15+$0x0];
	v7 =	vsub.f32 v20, v0;
	[tilespmem:s5+$0x0] =	vst v12;
	v12 =	vsub.f32 v19, v4  }
.LBB2_9:
0x122: {  	v19 =	vld [tilespmem:s10+$0x30];
	v17 =	vmul.f32 v18, v17;
	v10 =	vsub.f32 v10, v1  }
0x123: {  	s9 =	sadd.s32 $0x8, s9;
	v18 =	vld [tilespmem:s10+$0xFFFFFFD0];
	v8 =	vmul.f32 v8, v14  }
0x124: {  	p2 =	slt.u32 s9, $0x78;
	v14 =	vld [tilespmem:s10+$0xFFFFFFE0];
	v6 =	vadd.f32 v17, v6;
	v9 =	vmul.f32 v9, v13  }
0x125: {  	v13 =	vld [tilespmem:s10+$0xFFFFFFF0];
	v2 =	vadd.f32 v8, v2;
	v8 =	vmul.f32 v11, v15  }
0x126: {  	v11 =	vld [tilespmem:s10+$0x0];
	[tilespmem:s5+$0xFFFFFF90] =	vst v6;
	v3 =	vadd.f32 v9, v3;
	v6 =	vmul.f32 v12, v16  }
0x127: {  	v9 =	vld [tilespmem:s10+$0x10];
	v12 =	vadd.s32 $0x4000, v19;
	[tilespmem:s5+$0xFFFFFFA0] =	vst v2;
	v2 =	vadd.f32 v8, v5  }
0x128: {  	v16 =	vadd.s32 $0x4001, v19;
	v5 =	vadd.s32 $0x4000, v18;
	v8 =	vadd.s32 $0x4001, v18;
	v15 =	vld [tilespmem:s10+$0x20];
	[tilespmem:s5+$0xFFFFFFB0] =	vst v3  }
0x129: {  	v3 =	vld [tilespmem:s10+$0xFFFFFFC0];
	v17 =	vadd.s32 $0x4000, v14;
	v14 =	vadd.s32 $0x4001, v14;
	[tilespmem:s5+$0xFFFFFFC0] =	vst v2;
	v2 =	vadd.f32 v6, v4  }
0x12a: {  	v4 =	vadd.s32 $0x4000, v13;
	v13 =	vadd.s32 $0x4001, v13;
	v6 =	vld [tilespmem:s15+$0x10]  }
0x12b: {  	v18 =	vadd.s32 $0x4000, v11;
	v11 =	vadd.s32 $0x4001, v11;
	[tilespmem:s5+$0xFFFFFFD0] =	vst v2;
	v19 =	vld [tilespmem:s15+$0x20]  }
0x12c: {  	v20 =	vadd.s32 $0x4000, v9;
	v21 =	vadd.s32 $0x4001, v9;
	v9 =	vld.idx.msk [tilespmem:v12+s14+$0x0], $0xffff  }
0x12d: {  	v12 =	vadd.s32 $0x4000, v15;
	v15 =	vadd.s32 $0x4001, v15;
	v16 =	vld.idx.msk [tilespmem:v16+s14+$0x0], $0xffff  }
0x12e: {  	v22 =	vadd.s32 $0x4000, v3;
	v23 =	vadd.s32 $0x4001, v3;
	v2 =	vld.idx.msk [tilespmem:v5+s14+$0x0], $0xffff  }
0x12f: {  	s15 =	sadd.s32 $0x80, s15;
	v5 =	vld.idx.msk [tilespmem:v8+s14+$0x0], $0xffff;
	v6 =	vmul.f32 v7, v6  }
0x130: {  	v7 =	vld [tilespmem:s15+$0x30];
	v8 =	vmul.f32 v10, v19  }
0x131: {  	v3 =	vld.idx.msk [tilespmem:v17+s14+$0x0], $0xffff;
	v0 =	vadd.f32 v6, v0  }
0x132: {  	v10 =	vld.idx.msk [tilespmem:v14+s14+$0x0], $0xffff;
	v1 =	vadd.f32 v8, v1  }
0x133: {  	v14 =	vsub.f32 v16, v9;
	v6 =	vld.idx.msk [tilespmem:v22+s14+$0x0], $0xffff;
	[tilespmem:s5+$0xFFFFFFE0] =	vst v0  }
0x134: {  	v16 =	vld.idx.msk [tilespmem:v23+s14+$0x0], $0xffff;
	[tilespmem:s5+$0xFFFFFFF0] =	vst v1  }
0x135: {  	v8 =	vsub.f32 v5, v2;
	v5 =	vld.idx.msk [tilespmem:v4+s14+$0x0], $0xffff;
	v0 =	vmul.f32 v14, v7  }
0x136: {  	v7 =	vld.idx.msk [tilespmem:v13+s14+$0x0], $0xffff  }
0x137: {  	v4 =	vld.idx.msk [tilespmem:v18+s14+$0x0], $0xffff;
	v1 =	vadd.f32 v0, v9  }
0x138: {  	s5 =	sadd.s32 $0x80, s5;
	v9 =	vsub.f32 v10, v3;
	v13 =	vld.idx.msk [tilespmem:v11+s14+$0x0], $0xffff  }
0x139: {  	v0 =	vld.idx.msk [tilespmem:v20+s14+$0x0], $0xffff;
	[tilespmem:s5+$0x0] =	vst v1  }
0x13a: {  	v18 =	vsub.f32 v16, v6;
	v16 =	vld.idx.msk [tilespmem:v21+s14+$0x0], $0xffff  }
0x13b: {  	v1 =	vld.idx.msk [tilespmem:v12+s14+$0x0], $0xffff  }
0x13c: {  	v11 =	vsub.f32 v7, v5;
	v10 =	vld.idx.msk [tilespmem:v15+s14+$0x0], $0xffff  }
.Ltmp5:
0x13d: {  	v17 =	vld [tilespmem:s15+$0xFFFFFFC0];
	(pc) =	sbr.rel @p2 .LBB2_9-.Ltmp5, $4  }
0x13e: {  	v12 =	vsub.f32 v13, v4;
	v14 =	vld [tilespmem:s15+$0xFFFFFFD0]  }
0x13f: {  	v13 =	vld [tilespmem:s15+$0xFFFFFFE0]  }
0x140: {  	v7 =	vsub.f32 v16, v0;
	v15 =	vld [tilespmem:s15+$0xFFFFFFF0]  }
0x141: {  	s10 =	sadd.s32 $0x80, s10;
	v16 =	vld [tilespmem:s15+$0x0]  }
0x142: {  	v17 =	vmul.f32 v18, v17;
	v18 =	vld [tilespmem:s15+$0x10]  }
0x143: {  	v8 =	vmul.f32 v8, v14;
	v14 =	vld [tilespmem:s15+$0x20]  }
0x144: {  	v6 =	vadd.f32 v17, v6;
	v9 =	vmul.f32 v9, v13  }
0x145: {  	v2 =	vadd.f32 v8, v2;
	v8 =	vmul.f32 v11, v15  }
0x146: {  	v10 =	vsub.f32 v10, v1;
	[tilespmem:s5+$0xFFFFFF90] =	vst v6;
	v3 =	vadd.f32 v9, v3;
	v6 =	vmul.f32 v12, v16  }
0x147: {  	[tilespmem:s5+$0xFFFFFFA0] =	vst v2;
	v2 =	vadd.f32 v8, v5;
	v5 =	vmul.f32 v7, v18  }
0x148: {  	[tilespmem:s5+$0xFFFFFFB0] =	vst v3;
	v3 =	vadd.f32 v6, v4;
	v4 =	vmul.f32 v10, v14  }
0x149: {  	[tilespmem:s5+$0xFFFFFFC0] =	vst v2;
	v0 =	vadd.f32 v5, v0  }
0x14a: {  	s9 =	sshll.u32 s16, $0x8;
	[tilespmem:s5+$0xFFFFFFD0] =	vst v3;
	v1 =	vadd.f32 v4, v1  }
0x14b: {  	s8 =	sadd.s32 s4, s8;
	s9 =	sand.u32 $0x7F800, s9;
	[tilespmem:s5+$0xFFFFFFE0] =	vst v0  }
0x14c: {  	s8 =	sadd.s32 s9, s8;
	[tilespmem:s5+$0xFFFFFFF0] =	vst v1;
	s5 =	sadd.s32 @!p0 $0x4, s16  }
0x14d: {  	[hbm4b:s8+s12] =	stream.strided.scatter [tilespmem:s24], [sflag:$0x7], $0x800, s13, s12, $0x38;
	[tilespmem:$0xB800] =	vst v63  }
0x14e: {  	s8 =	sshll.u32 @!p0 s5, $0x4  }
0x14f: {  	s5 =	sshll.u32 @!p0 s5, $0xA;
	s8 =	sand.u32 @!p0 $0x60, s8  }
0x150: {  	s10 =	simm.s32 @!p0 $0x5800;
	s5 =	sand.u32 @!p0 $0xFFFE000, s5;
	s8 =	sadd.s32 @!p0 s3, s8  }
0x151: {  	s9 =	simm.s32 @!p0 $0x400;
	s5 =	sadd.s32 @!p0 s5, s8;
	s8 =	simm.s32 @!p0 $0x80  }
0x152: {  	[tilespmem:s10], [sflag:$0x3] =	stream.strided.gather @!p0 [hbm4b:s5+s8], $0x2000, s9, s8, $0x38;
	[tilespmem:$0xB800] =	vst v63  }
0x153: {  	_ =	swait.ge [sflag:s25], $0x2000  }
0x154: {  	[sflag:s25] =	ssyncset.done $0x0  }
0x155: {  	s5 =	simm.s32 @!p1 $0x8;
	[sflag:s25] =	ssyncadd.s32 $0xFFFFE000  }
0x156: {  	_ =	swait.ge @!p1 [sflag:s5], $0x800  }
0x157: {  	[sflag:s5] =	ssyncset.done @!p1 $0x0  }
0x158: {  	s9 =	simm.s32 $0x840;
	[sflag:s5] =	ssyncadd.s32 @!p1 $0xFFFFF800  }
0x159: {  	v0 =	vld [tilespmem:s9+$0x30];
	_ =	sdelay $0x1  }
0x15a: {  	v1 =	vld [tilespmem:s9+$0xFFFFFFD0]  }
0x15b: {  	v2 =	vld [tilespmem:s9+$0xFFFFFFE0]  }
0x15c: {  	v3 =	vld [tilespmem:s9+$0xFFFFFFF0]  }
0x15d: {  	v5 =	vld [tilespmem:s9+$0x0];
	v4 =	vadd.s32 $0x6000, v0  }
0x15e: {  	v7 =	vld [tilespmem:s9+$0xFFFFFFC0];
	v0 =	vadd.s32 $0x6001, v0  }
0x15f: {  	v8 =	vld [tilespmem:s9+$0x10];
	v6 =	vadd.s32 $0x6000, v1  }
0x160: {  	s15 =	simm.s32 $0x1040;
	v9 =	vld [tilespmem:s9+$0x20];
	v1 =	vadd.s32 $0x6001, v1  }
0x161: {  	v14 =	vld [tilespmem:s15+$0x30];
	v10 =	vadd.s32 $0x6000, v2  }
0x162: {  	v15 =	vadd.s32 $0x6001, v3;
	v11 =	vld.idx.msk [tilespmem:v4+s14+$0x0], $0xffff  }
0x163: {  	v17 =	vadd.s32 $0x6001, v5;
	v12 =	vld.idx.msk [tilespmem:v0+s14+$0x0], $0xffff  }
0x164: {  	v4 =	vadd.s32 $0x6001, v2;
	v2 =	vld.idx.msk [tilespmem:v6+s14+$0x0], $0xffff  }
0x165: {  	v0 =	vadd.s32 $0x6000, v7;
	v13 =	vld.idx.msk [tilespmem:v1+s14+$0x0], $0xffff  }
0x166: {  	v1 =	vadd.s32 $0x6000, v3;
	v3 =	vld.idx.msk [tilespmem:v10+s14+$0x0], $0xffff  }
0x167: {  	v15 =	vld.idx.msk [tilespmem:v15+s14+$0x0], $0xffff  }
0x168: {  	v7 =	vadd.s32 $0x6001, v7;
	v19 =	vld.idx.msk [tilespmem:v17+s14+$0x0], $0xffff  }
0x169: {  	v10 =	vadd.s32 $0x6000, v5;
	v17 =	vld [tilespmem:s15+$0xFFFFFFC0]  }
0x16a: {  	v6 =	vld.idx.msk [tilespmem:v0+s14+$0x0], $0xffff;
	v0 =	vadd.s32 $0x6000, v8  }
0x16b: {  	v16 =	vld.idx.msk [tilespmem:v4+s14+$0x0], $0xffff;
	v8 =	vadd.s32 $0x6001, v8  }
0x16c: {  	v5 =	vld.idx.msk [tilespmem:v1+s14+$0x0], $0xffff;
	v1 =	vadd.s32 $0x6000, v9  }
0x16d: {  	v7 =	vld.idx.msk [tilespmem:v7+s14+$0x0], $0xffff;
	v9 =	vadd.s32 $0x6001, v9  }
0x16e: {  	v4 =	vld.idx.msk [tilespmem:v10+s14+$0x0], $0xffff  }
0x16f: {  	v0 =	vld.idx.msk [tilespmem:v0+s14+$0x0], $0xffff  }
0x170: {  	v20 =	vld.idx.msk [tilespmem:v8+s14+$0x0], $0xffff;
	v8 =	vsub.f32 v12, v11  }
0x171: {  	v1 =	vld.idx.msk [tilespmem:v1+s14+$0x0], $0xffff  }
0x172: {  	v10 =	vld.idx.msk [tilespmem:v9+s14+$0x0], $0xffff;
	v9 =	vmul.f32 v8, v14  }
0x173: {  	v18 =	vsub.f32 v7, v6;
	v14 =	vld [tilespmem:s15+$0xFFFFFFD0]  }
0x174: {  	s10 =	sor.u32 $0x3, s2;
	v8 =	vsub.f32 v13, v2;
	v13 =	vld [tilespmem:s15+$0xFFFFFFE0];
	v12 =	vadd.f32 v9, v11  }
0x175: {  	s2 =	sor.u32 s6, s10;
	s16 =	sshll.u32 s10, $0x4;
	s5 =	simm.s32 $0xB070;
	v9 =	vsub.f32 v16, v3;
	v11 =	vsub.f32 v15, v5;
	v15 =	vld [tilespmem:s15+$0xFFFFFFF0]  }
0x176: {  	s10 =	simm.s32 $0x8C0;
	s8 =	sand.u32 $0x70, s16;
	s9 =	simm.s32 $0x0;
	v16 =	vld [tilespmem:s15+$0x0];
	v7 =	vsub.f32 v20, v0;
	[tilespmem:s5+$0x0] =	vst v12;
	v12 =	vsub.f32 v19, v4  }
.LBB2_11:
0x177: {  	v19 =	vld [tilespmem:s10+$0x30];
	v17 =	vmul.f32 v18, v17;
	v10 =	vsub.f32 v10, v1  }
0x178: {  	s9 =	sadd.s32 $0x8, s9;
	v18 =	vld [tilespmem:s10+$0xFFFFFFD0];
	v8 =	vmul.f32 v8, v14  }
0x179: {  	p1 =	slt.u32 s9, $0x78;
	v14 =	vld [tilespmem:s10+$0xFFFFFFE0];
	v6 =	vadd.f32 v17, v6;
	v9 =	vmul.f32 v9, v13  }
0x17a: {  	v13 =	vld [tilespmem:s10+$0xFFFFFFF0];
	v2 =	vadd.f32 v8, v2;
	v8 =	vmul.f32 v11, v15  }
0x17b: {  	v11 =	vld [tilespmem:s10+$0x0];
	[tilespmem:s5+$0xFFFFFF90] =	vst v6;
	v3 =	vadd.f32 v9, v3;
	v6 =	vmul.f32 v12, v16  }
0x17c: {  	v9 =	vld [tilespmem:s10+$0x10];
	v12 =	vadd.s32 $0x6000, v19;
	[tilespmem:s5+$0xFFFFFFA0] =	vst v2;
	v2 =	vadd.f32 v8, v5  }
0x17d: {  	v16 =	vadd.s32 $0x6001, v19;
	v5 =	vadd.s32 $0x6000, v18;
	v8 =	vadd.s32 $0x6001, v18;
	v15 =	vld [tilespmem:s10+$0x20];
	[tilespmem:s5+$0xFFFFFFB0] =	vst v3  }
0x17e: {  	v3 =	vld [tilespmem:s10+$0xFFFFFFC0];
	v17 =	vadd.s32 $0x6000, v14;
	v14 =	vadd.s32 $0x6001, v14;
	[tilespmem:s5+$0xFFFFFFC0] =	vst v2;
	v2 =	vadd.f32 v6, v4  }
0x17f: {  	v4 =	vadd.s32 $0x6000, v13;
	v13 =	vadd.s32 $0x6001, v13;
	v6 =	vld [tilespmem:s15+$0x10]  }
0x180: {  	v18 =	vadd.s32 $0x6000, v11;
	v11 =	vadd.s32 $0x6001, v11;
	[tilespmem:s5+$0xFFFFFFD0] =	vst v2;
	v19 =	vld [tilespmem:s15+$0x20]  }
0x181: {  	v20 =	vadd.s32 $0x6000, v9;
	v21 =	vadd.s32 $0x6001, v9;
	v9 =	vld.idx.msk [tilespmem:v12+s14+$0x0], $0xffff  }
0x182: {  	v12 =	vadd.s32 $0x6000, v15;
	v15 =	vadd.s32 $0x6001, v15;
	v16 =	vld.idx.msk [tilespmem:v16+s14+$0x0], $0xffff  }
0x183: {  	v22 =	vadd.s32 $0x6000, v3;
	v23 =	vadd.s32 $0x6001, v3;
	v2 =	vld.idx.msk [tilespmem:v5+s14+$0x0], $0xffff  }
0x184: {  	s15 =	sadd.s32 $0x80, s15;
	v5 =	vld.idx.msk [tilespmem:v8+s14+$0x0], $0xffff;
	v6 =	vmul.f32 v7, v6  }
0x185: {  	v7 =	vld [tilespmem:s15+$0x30];
	v8 =	vmul.f32 v10, v19  }
0x186: {  	v3 =	vld.idx.msk [tilespmem:v17+s14+$0x0], $0xffff;
	v0 =	vadd.f32 v6, v0  }
0x187: {  	v10 =	vld.idx.msk [tilespmem:v14+s14+$0x0], $0xffff;
	v1 =	vadd.f32 v8, v1  }
0x188: {  	v14 =	vsub.f32 v16, v9;
	v6 =	vld.idx.msk [tilespmem:v22+s14+$0x0], $0xffff;
	[tilespmem:s5+$0xFFFFFFE0] =	vst v0  }
0x189: {  	v16 =	vld.idx.msk [tilespmem:v23+s14+$0x0], $0xffff;
	[tilespmem:s5+$0xFFFFFFF0] =	vst v1  }
0x18a: {  	v8 =	vsub.f32 v5, v2;
	v5 =	vld.idx.msk [tilespmem:v4+s14+$0x0], $0xffff;
	v0 =	vmul.f32 v14, v7  }
0x18b: {  	v7 =	vld.idx.msk [tilespmem:v13+s14+$0x0], $0xffff  }
0x18c: {  	v4 =	vld.idx.msk [tilespmem:v18+s14+$0x0], $0xffff;
	v1 =	vadd.f32 v0, v9  }
0x18d: {  	s5 =	sadd.s32 $0x80, s5;
	v9 =	vsub.f32 v10, v3;
	v13 =	vld.idx.msk [tilespmem:v11+s14+$0x0], $0xffff  }
0x18e: {  	v0 =	vld.idx.msk [tilespmem:v20+s14+$0x0], $0xffff;
	[tilespmem:s5+$0x0] =	vst v1  }
0x18f: {  	v18 =	vsub.f32 v16, v6;
	v16 =	vld.idx.msk [tilespmem:v21+s14+$0x0], $0xffff  }
0x190: {  	v1 =	vld.idx.msk [tilespmem:v12+s14+$0x0], $0xffff  }
0x191: {  	v11 =	vsub.f32 v7, v5;
	v10 =	vld.idx.msk [tilespmem:v15+s14+$0x0], $0xffff  }
.Ltmp6:
0x192: {  	v17 =	vld [tilespmem:s15+$0xFFFFFFC0];
	(pc) =	sbr.rel @p1 .LBB2_11-.Ltmp6, $4  }
0x193: {  	v12 =	vsub.f32 v13, v4;
	v14 =	vld [tilespmem:s15+$0xFFFFFFD0]  }
0x194: {  	v13 =	vld [tilespmem:s15+$0xFFFFFFE0]  }
0x195: {  	v7 =	vsub.f32 v16, v0;
	v15 =	vld [tilespmem:s15+$0xFFFFFFF0]  }
0x196: {  	s10 =	sadd.s32 $0x80, s10;
	v16 =	vld [tilespmem:s15+$0x0]  }
0x197: {  	v17 =	vmul.f32 v18, v17;
	v55 =	vld [tilespmem:s15+$0x10]  }
0x198: {  	v56 =	vld [tilespmem:s15+$0x20];
	v8 =	vmul.f32 v8, v14  }
0x199: {  	v6 =	vadd.f32 v17, v6;
	v9 =	vmul.f32 v9, v13  }
0x19a: {  	v2 =	vadd.f32 v8, v2;
	v57 =	vmul.f32 v11, v15  }
0x19b: {  	v10 =	vsub.f32 v10, v1;
	[tilespmem:s5+$0xFFFFFF90] =	vst v6;
	v3 =	vadd.f32 v9, v3;
	v58 =	vmul.f32 v12, v16  }
0x19c: {  	[tilespmem:s5+$0xFFFFFFA0] =	vst v2;
	v59 =	vadd.f32 v57, v5;
	v60 =	vmul.f32 v7, v55  }
0x19d: {  	v62 =	vmul.f32 v10, v56;
	[tilespmem:s5+$0xFFFFFFB0] =	vst v3;
	v61 =	vadd.f32 v58, v4  }
.Ltmp7:
0x19e: {  	[tilespmem:s5+$0xFFFFFFC0] =	vst v59;
	v0 =	vadd.f32 v60, v0;
	(pc) =	sbr.rel @p0 .LBB2_14-.Ltmp7, $4  }
0x19f: {  	s9 =	sshll.u32 s2, $0x8;
	v63 =	vadd.f32 v62, v1;
	[tilespmem:s5+$0xFFFFFFD0] =	vst v61  }
0x1a0: {  	s8 =	sadd.s32 s4, s8;
	s9 =	sand.u32 $0x7F800, s9;
	[tilespmem:s5+$0xFFFFFFE0] =	vst v0  }
0x1a1: {  	s16 =	sadd.s32 s9, s8;
	[tilespmem:s5+$0xFFFFFFF0] =	vst v63  }
0x1a2: {  	[hbm4b:s16+s12] =	stream.strided.scatter [tilespmem:s26], [sflag:$0x8], $0x800, s13, s12, $0x38;
	[tilespmem:$0xB800] =	vst v63  }
0x1a3: {  	s2 =	sadd.s32 $0x4, s2  }
.Ltmp8:
0x1a4: {  	s5 =	sshll.u32 s2, $0x4;
	(pc) =	sbr.rel .LBB2_4-.Ltmp8, $4  }
0x1a5: {  	s2 =	sshll.u32 s2, $0xA;
	s5 =	sand.u32 $0x70, s5  }
0x1a6: {  	s2 =	sand.u32 $0xFFFE000, s2;
	s5 =	sadd.s32 s3, s5  }
0x1a7: {  	s1 =	sadd.s32 $0x1, s1;
	s2 =	sadd.s32 s2, s5  }
0x1a8: {  	[tilespmem:s17], [sflag:$0x4] =	stream.strided.gather [hbm4b:s2+s12], $0x2000, s13, s12, $0x38;
	[tilespmem:$0xB800] =	vst v63  }
.LBB2_15:
0x1a9: {  	_ =	sfence.sel $0x180000  }
0x1aa: {  	[bflag:$0x0] =	sbarrier.arrive $0xFFFF  }
0x1ab: {  	_ =	strace $0x90000047  }
0x1ac: {  	s0 =	stileid.u32;
	[bflag:$0x2] =	sbarrier.arrive $0xFFFF  }
0x1ad: {  	p0 =	sne.s32 s0, $0x0;
	s0 =	rddreg [dreg:$0x3]  }
0x1ae: {  	s0 =	sadd.s32 @!p0 $0x100000, s0  }
0x1af: {  	[sflag:s0] =	ssyncadd.tile.s32 @!p0 $0x1;
	_ =	shalt  }
.Lfunc_end2:
_tile_overlayer_lowered:
.L_overlay_start_2:
0x1b0: {  	(tag) =	ssettag $0x2  }
0x1b1: {  	s0 =	rddreg [dreg:$0x0];
	s2 =	stileid.u32  }
0x1b2: {  	s1 =	rddreg [dreg:$0x1];
	p0 =	sne.s32 s2, $0x0  }
0x1b3: {  	s3 =	rddreg [dreg:$0x2];
	[bflag:$0x3] =	sbarrier.arrive $0xFFFF;
	s2 =	simm.s32 @!p0 $0x1C09  }
0x1b4: {  	[timem:s3], [sflag:s2] =	dma.local @!p0 [hbm:s0], s1  }
0x1b5: {  	s0 =	simm.s32 @!p0 $0x9  }
0x1b6: {  	_ =	swait.ge @!p0 [sflag:s0], s1  }
0x1b7: {  	s1 =	ssub.s32 @!p0 $0x0, s1;
	[sflag:s0] =	ssyncset.done @!p0 $0x0  }
0x1b8: {  	[sflag:s0] =	ssyncadd.s32 @!p0 s1  }
0x1b9: {  	[bflag:$0x3] =	sbarrier.arrive $0xFFFF  }
0x1ba: {  	_ =	shalt  }

</sc_bundles>
